<compile_context>
chip_gen: v7x
topology: tpu7x:2x2x1
jax: 0.10.2.dev20260603
libtpu: 0.0.44.dev20260713+nightly
codegen_flags: <defaults>
</compile_context>

<pallas_src>
import dataclasses

import jax
import jax.numpy as jnp
from jax.experimental import pallas as pl
from jax.experimental.pallas import tpu as pltpu
from jax.experimental.pallas import tpu_sc as plsc

_B = 16
_T = 576
_E = 64
_N = 1025
_NE = 1024
_LEGACY = 0.2
_TILE = 512


def _c1_body(ks_ref, wt_ref, w32_ref, minidx_ref):
    ks = ks_ref[...]
    wt = wt_ref[...]
    rowssq = jnp.sum(ks * ks, axis=1, keepdims=True)
    wsq = jnp.sum(wt * wt, axis=0)
    mm = jax.lax.dot_general(ks, wt, (((1,), (0,)), ((), ())),
                             preferred_element_type=jnp.float32)
    d = rowssq + wsq[None, :] - 2.0 * mm
    dmin = jnp.min(d, axis=1, keepdims=True)
    ii = jax.lax.broadcasted_iota(jnp.int32, d.shape, 1)
    minidx = jnp.min(jnp.where(d == dmin, ii, jnp.int32(2**30)), axis=1)
    minidx_ref[...] = minidx[:, None]
    advb = (d[:, :_NE] > d[:, 1:_N]) & (ii[:, :_NE] < (_NE - 1))
    advf = advb.astype(jnp.float32)
    jrow = jax.lax.broadcasted_iota(jnp.int32, (_NE, 32), 0)
    kcol = jax.lax.broadcasted_iota(jnp.int32, (_NE, 32), 1)
    bitpos = jrow & 31
    hit = (jrow >> 5) == kcol
    in_lo = bitpos < 16
    p_lo = jnp.where(hit & in_lo,
                     (1 << jnp.where(in_lo, bitpos, 0)).astype(jnp.float32),
                     0.0)
    p_hi = jnp.where(hit & (~in_lo),
                     (1 << jnp.maximum(bitpos - 16, 0)).astype(jnp.float32),
                     0.0)
    dn = (((1,), (0,)), ((), ()))
    lo = jax.lax.dot_general(advf, p_lo, dn,
                             preferred_element_type=jnp.float32)
    hi = jax.lax.dot_general(advf, p_hi, dn,
                             preferred_element_type=jnp.float32)
    w32_ref[...] = lo.astype(jnp.int32) | (hi.astype(jnp.int32) << 16)


def _call1(ksf, wt):
    n_tiles = ksf.shape[0] // _TILE
    return pl.pallas_call(
        _c1_body,
        grid=(n_tiles,),
        in_specs=[pl.BlockSpec((_TILE, _E), lambda i: (i, 0)),
                  pl.BlockSpec((_E, _N), lambda i: (0, 0))],
        out_specs=[pl.BlockSpec((_TILE, 32), lambda i: (i, 0)),
                   pl.BlockSpec((_TILE, 1), lambda i: (i, 0))],
        out_shape=[jax.ShapeDtypeStruct((_T * _B, 32), jnp.int32),
                   jax.ShapeDtypeStruct((_T * _B, 1), jnp.int32)],
    )(ksf, wt)


def _call2_sc(w32_bm, mi_bm):
    mesh = plsc.VectorSubcoreMesh(core_axis_name="c", subcore_axis_name="s",
                                  num_cores=2, num_subcores=16)
    cp = pltpu.CompilerParams()
    if "needs_layout_passes" in pltpu.CompilerParams.__dataclass_fields__:
        cp = dataclasses.replace(cp, needs_layout_passes=False)

    @pl.kernel(
        out_type=jax.ShapeDtypeStruct((_B, _T), jnp.int32),
        mesh=mesh,
        compiler_params=cp,
        scratch_types=[pltpu.VMEM((_T * 32,), jnp.int32),
                       pltpu.VMEM((_T,), jnp.int32),
                       pltpu.VMEM((_T * 16,), jnp.int32),
                       pltpu.VMEM((_T,), jnp.int32),
                       pltpu.SemaphoreType.DMA,
                       pltpu.SemaphoreType.DMA],
    )
    def scan_kernel(w32_ref, mi_ref, enc_ref, words, miv, encl, encc,
                    s0, s1):
        c = jax.lax.axis_index("c")
        s = jax.lax.axis_index("s")
        b = c * (_B // 2) + s

        @pl.when(s < (_B // 2))
        def _():
            cw = pltpu.async_copy(w32_ref.at[b], words, s0)
            cm = pltpu.async_copy(mi_ref.at[b], miv, s1)
            cw.wait()
            cm.wait()
            zero16 = jnp.zeros((16,), jnp.int32)
            ind0 = jnp.minimum(plsc.load_gather(miv, [zero16]), _NE - 1)
            encl[pl.ds(0, 16)] = ind0

            def step(t, ind):
                w_ = plsc.load_gather(words, [t * 32 + (ind >> 5)])
                ind = ind + ((w_ >> (ind & 31)) & 1)
                encl[pl.ds(t * 16, 16)] = ind
                return ind

            jax.lax.fori_loop(1, _T, step, ind0)

            lane16 = jax.lax.iota(jnp.int32, 16)

            def compact(i, _):
                v = plsc.load_gather(encl, [lane16 * 16 + i * 256])
                encc[pl.ds(i * 16, 16)] = v
                return 0

            jax.lax.fori_loop(0, _T // 16, compact, 0)
            pltpu.async_copy(encc, enc_ref.at[b], s0).wait()

    return scan_kernel(w32_bm, mi_bm)


def _c3_body(ks_ref, whi_ref, wmid_ref, wlo_ref, enc_ref, mi_ref,
             kh_ref, lh_ref, ln_ref, v_ref, em_ref, led_ref):
    i = pl.program_id(0)
    ks = ks_ref[...]
    ind = enc_ref[...]
    indn = jnp.minimum(ind + 1, _NE - 1)
    mi = mi_ref[...]
    jj = jax.lax.broadcasted_iota(jnp.int32, (_T, _N), 1)
    dnum = (((1,), (0,)), ((), ()))
    w_hi = whi_ref[...]
    w_mid = wmid_ref[...]
    w_lo = wlo_ref[...]

    def _gather(idx):
        oh = (jj == idx).astype(jnp.bfloat16)
        parts = [jax.lax.dot_general(oh, seg, dnum,
                                     preferred_element_type=jnp.float32)
                 for seg in (w_hi, w_mid, w_lo)]
        return (parts[0] + parts[1]) + parts[2]

    khh = _gather(ind)
    khn = _gather(indn)
    kmin = _gather(mi)
    dh = ks - khh
    s_here = jnp.sum(dh * dh, axis=1)
    dnx = ks - khn
    s_next = jnp.sum(dnx * dnx, axis=1)
    dm = ks - kmin
    s_min = jnp.sum(dm * dm, axis=1)
    base_h = s_here + s_here * _LEGACY
    base_n = s_next + s_next * _LEGACY
    lmi = s_min + s_min * _LEGACY
    lm_h = jnp.where(lmi < base_h, lmi, 0.0)
    lm_n = jnp.where(lmi < base_n, lmi, 0.0)
    dd = s_next - s_here
    en = dd + dd * _LEGACY
    kh_ref[...] = ks + (khh - ks)
    lh_ref[...] = (base_h + (-base_n) - lm_h)[:, None]
    ln_ref[...] = (base_n + (-base_h) - lm_n)[:, None]

    enc = ind[:, 0]
    change = (enc[1:] - enc[:-1]) != 0
    ec = jnp.where(change, 0.0, en[1:] - en[:-1])
    led_part = jnp.sum(jnp.maximum(ec + (1e-06 / _NE), 0.0))
    em_part = jnp.sum(en)
    v_part = jnp.max(enc) - jnp.min(enc)

    @pl.when(i == 0)
    def _():
        v_ref[...] = jnp.zeros((1, 1), jnp.int32)
        em_ref[...] = jnp.zeros((1, 1), jnp.float32)
        led_ref[...] = jnp.zeros((1, 1), jnp.float32)

    v_ref[...] = jnp.maximum(v_ref[...], jnp.reshape(v_part, (1, 1)))
    em_ref[...] = em_ref[...] + jnp.reshape(em_part, (1, 1))
    led_ref[...] = led_ref[...] + jnp.reshape(led_part, (1, 1))

    @pl.when(i == _B - 1)
    def _():
        em_ref[...] = em_ref[...] / (_B * _T)
        led_ref[...] = led_ref[...] / (_B * (_T - 1))


def _call3(ksf, w_hi, w_mid, w_lo, enc, minidx):
    return pl.pallas_call(
        _c3_body,
        grid=(_B,),
        in_specs=[pl.BlockSpec((_T, _E), lambda i: (i, 0)),
                  pl.BlockSpec((_N, _E), lambda i: (0, 0)),
                  pl.BlockSpec((_N, _E), lambda i: (0, 0)),
                  pl.BlockSpec((_N, _E), lambda i: (0, 0)),
                  pl.BlockSpec((_T, 1), lambda i: (i, 0)),
                  pl.BlockSpec((_T, 1), lambda i: (i, 0))],
        out_specs=[pl.BlockSpec((_T, _E), lambda i: (i, 0)),
                   pl.BlockSpec((_T, 1), lambda i: (i, 0)),
                   pl.BlockSpec((_T, 1), lambda i: (i, 0)),
                   pl.BlockSpec((1, 1), lambda i: (0, 0)),
                   pl.BlockSpec((1, 1), lambda i: (0, 0)),
                   pl.BlockSpec((1, 1), lambda i: (0, 0))],
        out_shape=[jax.ShapeDtypeStruct((_T * _B, _E), jnp.float32),
                   jax.ShapeDtypeStruct((_T * _B, 1), jnp.float32),
                   jax.ShapeDtypeStruct((_T * _B, 1), jnp.float32),
                   jax.ShapeDtypeStruct((1, 1), jnp.int32),
                   jax.ShapeDtypeStruct((1, 1), jnp.float32),
                   jax.ShapeDtypeStruct((1, 1), jnp.float32)],
    )(ksf, w_hi, w_mid, w_lo, enc, minidx)


def kernel(key_soft, W):
    B, T, E = key_soft.shape
    ksf = key_soft.reshape(B * T, E)
    wt = W.T
    w32, minidx = _call1(ksf, wt)
    w32_bm = w32.reshape(B, T * 32)
    mi_bm = minidx.reshape(B, T)
    enc_bm = _call2_sc(w32_bm, mi_bm)
    enc = enc_bm.reshape(B * T, 1)
    w_hi = W.astype(jnp.bfloat16)
    r1 = W - w_hi.astype(jnp.float32)
    w_mid = r1.astype(jnp.bfloat16)
    w_lo = (r1 - w_mid.astype(jnp.float32)).astype(jnp.bfloat16)
    kh, lh, ln, v, em, led = _call3(ksf, w_hi, w_mid, w_lo, enc, minidx)
    return (kh.reshape(B, T, E), enc_bm, v[0, 0],
            lh.reshape(B, T), ln.reshape(B, T), em[0, 0], led[0, 0])

# --- scband reference (transcript-rebuilt; emitter-appended) ---
"""Pipeline reference for scband-vqneighbor2-26405458936342 (READ-ONLY COPY).

The authoritative reference and input builder live on the scoring server;
editing this copy changes nothing except your own understanding.
"""

import jax, jax.numpy as jnp
import numpy as np

N_E = 1024
E_DIM = 64
LEGACY = 0.2


def setup_inputs(seed: int = 0) -> dict:
    key = jax.random.key(seed)
    k1, k2 = jax.random.split(key)
    key_soft = jax.random.normal(k1, (16, 576, E_DIM), dtype=jnp.float32)
    W = jax.random.uniform(k2, (N_E + 1, E_DIM), minval=-1.0 / N_E, maxval=1.0 / N_E, dtype=jnp.float32)
    return {"key_soft": key_soft, "W": W}


def _forward(key_soft, W):
    B, T, e_dim = key_soft.shape
    n_e = W.shape[0] - 1
    sg = jax.lax.stop_gradient
    ksf = key_soft.reshape(-1, e_dim)
    d = jnp.sum(ksf ** 2, axis=1, keepdims=True) + jnp.sum(W ** 2, axis=1) - 2.0 * (ksf @ W.T)
    d_ng = sg(d)
    min_indices = jnp.argmin(d_ng, axis=1)
    d3 = d_ng.reshape(B, T, n_e + 1)
    enc0 = jnp.clip(jnp.argmin(d3[:, 0, :], axis=1), 0, n_e - 1)

    def scan_fn(ind_prev, d_t):
        d_here = jnp.take_along_axis(d_t, ind_prev[:, None], axis=1)[:, 0]
        ind_next = jnp.clip(ind_prev + 1, 0, n_e - 1)
        d_next = jnp.take_along_axis(d_t, ind_next[:, None], axis=1)[:, 0]
        ind_new = jnp.where(d_here <= d_next, ind_prev, ind_next)
        return ind_new, ind_new

    _, rest = jax.lax.scan(scan_fn, enc0, jnp.transpose(d3[:, 1:, :], (1, 0, 2)))
    encoding_indices = jnp.concatenate([enc0[:, None], jnp.transpose(rest, (1, 0))], axis=1)
    eif = encoding_indices.reshape(-1)
    key_hard_here = jnp.take(W, eif, axis=0).reshape(key_soft.shape)
    key_hard_next = jnp.take(W, jnp.clip(eif + 1, 0, n_e - 1), axis=0).reshape(key_soft.shape)
    key_min = jnp.take(W, min_indices, axis=0).reshape(key_soft.shape)

    loss_here_base = jnp.sum((sg(key_soft) - key_hard_here) ** 2, axis=-1) + jnp.sum((key_soft - sg(key_hard_here)) ** 2, axis=-1) * LEGACY
    loss_next_base = jnp.sum((sg(key_soft) - key_hard_next) ** 2, axis=-1) + jnp.sum((key_soft - sg(key_hard_next)) ** 2, axis=-1) * LEGACY
    loss_next_reg = -loss_here_base
    loss_here_reg = -loss_next_base

    energy = (jnp.sum((sg(key_soft) - key_hard_next) ** 2, axis=-1)
              - jnp.sum((sg(key_soft) - key_hard_here) ** 2, axis=-1)
              + (jnp.sum((key_soft - sg(key_hard_next)) ** 2, axis=-1)
                 - jnp.sum((key_soft - sg(key_hard_here)) ** 2, axis=-1)) * LEGACY)

    change = (encoding_indices[:, 1:] - encoding_indices[:, :-1]).astype(bool)
    energy_change = energy[:, 1:] - energy[:, :-1]
    same_hard_mask = jnp.where(change, 0.0, 1.0)
    energy_change = energy_change * same_hard_mask
    loss_energy_descent = jnp.maximum(energy_change + 1e-06 / n_e, jnp.zeros_like(energy_change)).mean()
    energy_mean = energy.mean()

    loss_min_indices = jnp.sum((sg(key_soft) - key_min) ** 2, axis=-1) + jnp.sum((key_soft - sg(key_min)) ** 2, axis=-1) * LEGACY
    loss_min_here = jnp.where(loss_min_indices < loss_here_base, loss_min_indices, 0.0)
    loss_min_next = jnp.where(loss_min_indices < loss_next_base, loss_min_indices, 0.0)
    loss_here = loss_here_base + loss_here_reg - loss_min_here
    loss_next = loss_next_base + loss_next_reg - loss_min_next

    key_hard = key_soft + sg(key_hard_here - key_soft)
    mn = jnp.min(encoding_indices, axis=1)
    mx = jnp.max(encoding_indices, axis=1)
    v = jnp.max(mx - mn)
    return key_hard, encoding_indices, v, loss_here, loss_next, energy_mean, loss_energy_descent


def reference(key_soft, W):
    return _forward(key_soft, W)

if __name__ == "__main__":
    import jax
    _d = setup_inputs()
    print(jax.jit(kernel)(*tuple(_d.values())))

</pallas_src>

<mosaic_0001>
#map = affine_map<(d0, d1) -> (0, 0)>
module attributes {stable_mosaic.version = 14 : i64} {
  func.func @scan_kernel(%arg0: i32, %arg1: i32, %arg2: memref<16x18432xi32, #tpu.memory_space<hbm>>, %arg3: memref<16x576xi32, #tpu.memory_space<hbm>>, %arg4: memref<16x576xi32, #tpu.memory_space<hbm>>, %arg5: memref<18432xi32, #tpu.memory_space<vmem>>, %arg6: memref<576xi32, #tpu.memory_space<vmem>>, %arg7: memref<9216xi32, #tpu.memory_space<vmem>>, %arg8: memref<576xi32, #tpu.memory_space<vmem>>, %arg9: memref<!tpu.dma_semaphore, #tpu.memory_space<semaphore_mem>>, %arg10: memref<!tpu.dma_semaphore, #tpu.memory_space<semaphore_mem>>) attributes {dimension_semantics = [#tpu.dimension_semantics<core_parallel>, #tpu.dimension_semantics<subcore_parallel>], iteration_bounds = array<i64: 2, 16>, scalar_prefetch = 0 : i64, scratch_operands = 6 : i64, tpu.core_type = #tpu.core_type<sc_vector_subcore>, window_params = [{transform_indices = #map}, {transform_indices = #map}, {transform_indices = #map}]} {
    %mul3A = arith.constant 8 : i32
    %mul3A_0 = arith.muli %arg0, %mul3A : i32
    %add3A = arith.addi %mul3A_0, %arg1 : i32
    %lt3A = arith.constant 8 : i32
    %lt3A_1 = arith.cmpi slt, %arg1, %lt3A : i32
    %convert_element_type3A = arith.extui %lt3A_1 : i1 to i32
    %cond3A = arith.constant 0 : i32
    %cond3A_2 = arith.cmpi ne, %convert_element_type3A, %cond3A : i32
    scf.if %cond3A_2 {
      %dma_start3A = arith.constant 0 : i32
      %dma_start3A_3 = tpu.memref_slice %arg2[%add3A, %dma_start3A] : memref<16x18432xi32, #tpu.memory_space<hbm>> -> memref<1x18432xi32, #tpu.memory_space<hbm>>
      %dma_start3A_4 = tpu.memref_squeeze %dma_start3A_3 : memref<1x18432xi32, #tpu.memory_space<hbm>> -> memref<18432xi32, #tpu.memory_space<hbm>>
      %dma_start3A_5 = arith.constant 0 : i32
      %dma_start3A_6 = tpu.memref_slice %arg2[%add3A, %dma_start3A_5] : memref<16x18432xi32, #tpu.memory_space<hbm>> -> memref<1x18432xi32, #tpu.memory_space<hbm>>
      %dma_start3A_7 = tpu.memref_squeeze %dma_start3A_6 : memref<1x18432xi32, #tpu.memory_space<hbm>> -> memref<18432xi32, #tpu.memory_space<hbm>>
      tpu.enqueue_dma source(%dma_start3A_7 : memref<18432xi32, #tpu.memory_space<hbm>>) target(%arg5 : memref<18432xi32, #tpu.memory_space<vmem>>) target_semaphore(%arg9 : memref<!tpu.dma_semaphore, #tpu.memory_space<semaphore_mem>>)
      %dma_start3A_8 = arith.constant 0 : i32
      %dma_start3A_9 = tpu.memref_slice %arg3[%add3A, %dma_start3A_8] : memref<16x576xi32, #tpu.memory_space<hbm>> -> memref<1x576xi32, #tpu.memory_space<hbm>>
      %dma_start3A_10 = tpu.memref_squeeze %dma_start3A_9 : memref<1x576xi32, #tpu.memory_space<hbm>> -> memref<576xi32, #tpu.memory_space<hbm>>
      %dma_start3A_11 = arith.constant 0 : i32
      %dma_start3A_12 = tpu.memref_slice %arg3[%add3A, %dma_start3A_11] : memref<16x576xi32, #tpu.memory_space<hbm>> -> memref<1x576xi32, #tpu.memory_space<hbm>>
      %dma_start3A_13 = tpu.memref_squeeze %dma_start3A_12 : memref<1x576xi32, #tpu.memory_space<hbm>> -> memref<576xi32, #tpu.memory_space<hbm>>
      tpu.enqueue_dma source(%dma_start3A_13 : memref<576xi32, #tpu.memory_space<hbm>>) target(%arg6 : memref<576xi32, #tpu.memory_space<vmem>>) target_semaphore(%arg10 : memref<!tpu.dma_semaphore, #tpu.memory_space<semaphore_mem>>)
      %dma_wait3A = arith.constant 0 : i32
      %dma_wait3A_14 = tpu.memref_slice %arg2[%add3A, %dma_wait3A] : memref<16x18432xi32, #tpu.memory_space<hbm>> -> memref<1x18432xi32, #tpu.memory_space<hbm>>
      %dma_wait3A_15 = tpu.memref_squeeze %dma_wait3A_14 : memref<1x18432xi32, #tpu.memory_space<hbm>> -> memref<18432xi32, #tpu.memory_space<hbm>>
      %dma_wait3A_16 = arith.constant 0 : i32
      %dma_wait3A_17 = tpu.memref_slice %arg2[%add3A, %dma_wait3A_16] : memref<16x18432xi32, #tpu.memory_space<hbm>> -> memref<1x18432xi32, #tpu.memory_space<hbm>>
      %dma_wait3A_18 = tpu.memref_squeeze %dma_wait3A_17 : memref<1x18432xi32, #tpu.memory_space<hbm>> -> memref<18432xi32, #tpu.memory_space<hbm>>
      tpu.wait_dma2 semaphore(%arg9 : memref<!tpu.dma_semaphore, #tpu.memory_space<semaphore_mem>>) src(%dma_wait3A_18 : memref<18432xi32, #tpu.memory_space<hbm>>) dst(%arg5 : memref<18432xi32, #tpu.memory_space<vmem>>)
      %dma_wait3A_19 = arith.constant 0 : i32
      %dma_wait3A_20 = tpu.memref_slice %arg3[%add3A, %dma_wait3A_19] : memref<16x576xi32, #tpu.memory_space<hbm>> -> memref<1x576xi32, #tpu.memory_space<hbm>>
      %dma_wait3A_21 = tpu.memref_squeeze %dma_wait3A_20 : memref<1x576xi32, #tpu.memory_space<hbm>> -> memref<576xi32, #tpu.memory_space<hbm>>
      %dma_wait3A_22 = arith.constant 0 : i32
      %dma_wait3A_23 = tpu.memref_slice %arg3[%add3A, %dma_wait3A_22] : memref<16x576xi32, #tpu.memory_space<hbm>> -> memref<1x576xi32, #tpu.memory_space<hbm>>
      %dma_wait3A_24 = tpu.memref_squeeze %dma_wait3A_23 : memref<1x576xi32, #tpu.memory_space<hbm>> -> memref<576xi32, #tpu.memory_space<hbm>>
      tpu.wait_dma2 semaphore(%arg10 : memref<!tpu.dma_semaphore, #tpu.memory_space<semaphore_mem>>) src(%dma_wait3A_24 : memref<576xi32, #tpu.memory_space<hbm>>) dst(%arg6 : memref<576xi32, #tpu.memory_space<vmem>>)
      %broadcast_in_dim3A = arith.constant 0 : i32
      %broadcast_in_dim3A_25 = vector.broadcast %broadcast_in_dim3A : i32 to vector<16xi32>
      %gather3A = tpu.vector_load_idx %arg6[%broadcast_in_dim3A_25] : memref<576xi32, #tpu.memory_space<vmem>>[vector<16xi32>], vector<16xi32>,
      %min3A = arith.constant 1023 : i32
      %min3A_26 = vector.broadcast %min3A : i32 to vector<16xi32>
      %min3A_27 = arith.minsi %gather3A, %min3A_26 : vector<16xi32>
      %swap3A = arith.constant 0 : index
      %swap3A_28 = tpu.vector_load %arg7[%swap3A] {strides = array<i32>} : memref<9216xi32, #tpu.memory_space<vmem>>, vector<16xi32>,
      tpu.vector_store %arg7[%swap3A], %min3A_27 {strides = array<i32>} : memref<9216xi32, #tpu.memory_space<vmem>>, vector<16xi32>,
      %scan3A = arith.constant 1 : i32
      %scan3A_29 = arith.constant 575 : i32
      %scan3A_30 = arith.addi %scan3A, %scan3A_29 : i32
      %scan3A_31 = arith.constant 1 : i32
      %scan3A_32 = scf.for %scan3A_53 = %scan3A to %scan3A_30 step %scan3A_31 iter_args(%scan3A_54 = %min3A_27) -> (vector<16xi32>)  : i32 {
        %mul3A_55 = arith.constant 32 : i32
        %mul3A_56 = arith.muli %scan3A_53, %mul3A_55 : i32
        %shift_right_arithmetic3A = arith.constant 5 : i32
        %shift_right_arithmetic3A_57 = vector.broadcast %shift_right_arithmetic3A : i32 to vector<16xi32>
        %shift_right_arithmetic3A_58 = arith.shrsi %scan3A_54, %shift_right_arithmetic3A_57 : vector<16xi32>
        %add3A_59 = vector.broadcast %mul3A_56 : i32 to vector<16xi32>
        %add3A_60 = arith.addi %add3A_59, %shift_right_arithmetic3A_58 : vector<16xi32>
        %gather3A_61 = tpu.vector_load_idx %arg5[%add3A_60] : memref<18432xi32, #tpu.memory_space<vmem>>[vector<16xi32>], vector<16xi32>,
        %and3A = arith.constant 31 : i32
        %and3A_62 = vector.broadcast %and3A : i32 to vector<16xi32>
        %and3A_63 = arith.andi %scan3A_54, %and3A_62 : vector<16xi32>
        %shift_right_arithmetic3A_64 = arith.shrsi %gather3A_61, %and3A_63 : vector<16xi32>
        %and3A_65 = arith.constant 1 : i32
        %and3A_66 = vector.broadcast %and3A_65 : i32 to vector<16xi32>
        %and3A_67 = arith.andi %shift_right_arithmetic3A_64, %and3A_66 : vector<16xi32>
        %add3A_68 = arith.addi %scan3A_54, %and3A_67 : vector<16xi32>
        %mul3A_69 = arith.constant 16 : i32
        %mul3A_70 = arith.muli %scan3A_53, %mul3A_69 : i32
        %swap3A_71 = arith.index_cast %mul3A_70 : i32 to index
        %swap3A_72 = tpu.vector_load %arg7[%swap3A_71] {strides = array<i32>} : memref<9216xi32, #tpu.memory_space<vmem>>, vector<16xi32>,
        tpu.vector_store %arg7[%swap3A_71], %add3A_68 {strides = array<i32>} : memref<9216xi32, #tpu.memory_space<vmem>>, vector<16xi32>,
        scf.yield %add3A_68 : vector<16xi32>
      }
      %scan3A_33 = arith.constant 575 : i32
      %iota3A = tpu.iota {dimensions = array<i32: 0>} : vector<16xi32>
      %scan3A_34 = arith.constant 0 : i32
      %scan3A_35 = arith.constant 0 : i32
      %scan3A_36 = arith.constant 36 : i32
      %scan3A_37 = arith.addi %scan3A_35, %scan3A_36 : i32
      %scan3A_38 = arith.constant 1 : i32
      %scan3A_39 = scf.for %scan3A_53 = %scan3A_35 to %scan3A_37 step %scan3A_38 iter_args(%scan3A_54 = %scan3A_34) -> (i32)  : i32 {
        %mul3A_55 = arith.constant 16 : i32
        %mul3A_56 = vector.broadcast %mul3A_55 : i32 to vector<16xi32>
        %mul3A_57 = arith.muli %iota3A, %mul3A_56 : vector<16xi32>
        %mul3A_58 = arith.constant 256 : i32
        %mul3A_59 = arith.muli %scan3A_53, %mul3A_58 : i32
        %add3A_60 = vector.broadcast %mul3A_59 : i32 to vector<16xi32>
        %add3A_61 = arith.addi %mul3A_57, %add3A_60 : vector<16xi32>
        %gather3A_62 = tpu.vector_load_idx %arg7[%add3A_61] : memref<9216xi32, #tpu.memory_space<vmem>>[vector<16xi32>], vector<16xi32>,
        %mul3A_63 = arith.constant 16 : i32
        %mul3A_64 = arith.muli %scan3A_53, %mul3A_63 : i32
        %swap3A_65 = arith.index_cast %mul3A_64 : i32 to index
        %swap3A_66 = tpu.vector_load %arg8[%swap3A_65] {strides = array<i32>} : memref<576xi32, #tpu.memory_space<vmem>>, vector<16xi32>,
        tpu.vector_store %arg8[%swap3A_65], %gather3A_62 {strides = array<i32>} : memref<576xi32, #tpu.memory_space<vmem>>, vector<16xi32>,
        %scan3A_67 = arith.constant 0 : i32
        scf.yield %scan3A_67 : i32
      }
      %scan3A_40 = arith.constant 36 : i32
      %dma_start3A_41 = arith.constant 0 : i32
      %dma_start3A_42 = tpu.memref_slice %arg4[%add3A, %dma_start3A_41] : memref<16x576xi32, #tpu.memory_space<hbm>> -> memref<1x576xi32, #tpu.memory_space<hbm>>
      %dma_start3A_43 = tpu.memref_squeeze %dma_start3A_42 : memref<1x576xi32, #tpu.memory_space<hbm>> -> memref<576xi32, #tpu.memory_space<hbm>>
      %dma_start3A_44 = arith.constant 0 : i32
      %dma_start3A_45 = tpu.memref_slice %arg4[%add3A, %dma_start3A_44] : memref<16x576xi32, #tpu.memory_space<hbm>> -> memref<1x576xi32, #tpu.memory_space<hbm>>
      %dma_start3A_46 = tpu.memref_squeeze %dma_start3A_45 : memref<1x576xi32, #tpu.memory_space<hbm>> -> memref<576xi32, #tpu.memory_space<hbm>>
      tpu.enqueue_dma source(%arg8 : memref<576xi32, #tpu.memory_space<vmem>>) target(%dma_start3A_46 : memref<576xi32, #tpu.memory_space<hbm>>) target_semaphore(%arg9 : memref<!tpu.dma_semaphore, #tpu.memory_space<semaphore_mem>>)
      %dma_wait3A_47 = arith.constant 0 : i32
      %dma_wait3A_48 = tpu.memref_slice %arg4[%add3A, %dma_wait3A_47] : memref<16x576xi32, #tpu.memory_space<hbm>> -> memref<1x576xi32, #tpu.memory_space<hbm>>
      %dma_wait3A_49 = tpu.memref_squeeze %dma_wait3A_48 : memref<1x576xi32, #tpu.memory_space<hbm>> -> memref<576xi32, #tpu.memory_space<hbm>>
      %dma_wait3A_50 = arith.constant 0 : i32
      %dma_wait3A_51 = tpu.memref_slice %arg4[%add3A, %dma_wait3A_50] : memref<16x576xi32, #tpu.memory_space<hbm>> -> memref<1x576xi32, #tpu.memory_space<hbm>>
      %dma_wait3A_52 = tpu.memref_squeeze %dma_wait3A_51 : memref<1x576xi32, #tpu.memory_space<hbm>> -> memref<576xi32, #tpu.memory_space<hbm>>
      tpu.wait_dma2 semaphore(%arg9 : memref<!tpu.dma_semaphore, #tpu.memory_space<semaphore_mem>>) src(%arg8 : memref<576xi32, #tpu.memory_space<vmem>>) dst(%dma_wait3A_52 : memref<576xi32, #tpu.memory_space<hbm>>)
    } else {
    }
    return
  }
}

module attributes {stable_mosaic.version = 14 : i64} {
  func.func @_c1_body(%arg0: i32, %arg1: memref<512x64xf32, #tpu.memory_space<vmem>>, %arg2: memref<64x1025xf32, #tpu.memory_space<vmem>>, %arg3: memref<512x32xi32, #tpu.memory_space<vmem>>, %arg4: memref<512x1xi32, #tpu.memory_space<vmem>>) attributes {dimension_semantics = [#tpu.dimension_semantics<arbitrary>], iteration_bounds = array<i64: 18>, scalar_prefetch = 0 : i64, scratch_operands = 0 : i64, tpu.core_type = #tpu.core_type<tc>, window_params = [{transform_indices = @transform_0, window_bounds = array<i64: 512, 64>}, {pipeline_mode = #tpu.pipeline_mode<synchronous>, transform_indices = @transform_1, window_bounds = array<i64: 64, 1025>}, {transform_indices = @transform_2, window_bounds = array<i64: 512, 32>}, {transform_indices = @transform_3, window_bounds = array<i64: 512, 1>}]} {
    %get3A = arith.constant 0 : index
    %get3A_0 = arith.constant 0 : index
    %get3A_1 = vector.load %arg1[%get3A, %get3A_0] : memref<512x64xf32, #tpu.memory_space<vmem>>, vector<512x64xf32>
    %get3A_2 = arith.constant 0 : index
    %get3A_3 = arith.constant 0 : index
    %get3A_4 = vector.load %arg2[%get3A_2, %get3A_3] : memref<64x1025xf32, #tpu.memory_space<vmem>>, vector<64x1025xf32>
    %mul3A = arith.mulf %get3A_1, %get3A_1 : vector<512x64xf32>
    %reduce_sum3A = arith.constant dense<0.000000e+00> : vector<512xf32>
    %reduce_sum3A_5 = vector.multi_reduction <add>, %mul3A, %reduce_sum3A [1] : vector<512x64xf32> to vector<512xf32>
    %broadcast_in_dim3A = vector.shape_cast %reduce_sum3A_5 : vector<512xf32> to vector<512x1xf32>
    %mul3A_6 = arith.mulf %get3A_4, %get3A_4 : vector<64x1025xf32>
    %reduce_sum3A_7 = arith.constant dense<0.000000e+00> : vector<1025xf32>
    %reduce_sum3A_8 = vector.multi_reduction <add>, %mul3A_6, %reduce_sum3A_7 [0] : vector<64x1025xf32> to vector<1025xf32>
    %dot_general3A = arith.constant dense<0.000000e+00> : vector<512x1025xf32>
    %dot_general3A_9 = tpu.matmul %get3A_1, %get3A_4, %dot_general3A {dimension_numbers = #tpu.dot_dimension_numbers<[1], [0], [0], [1], [0, 0, 1, 1], [], []>, transpose_lhs_hint = false} : vector<512x64xf32>, vector<64x1025xf32>, vector<512x1025xf32> -> vector<512x1025xf32>
    %broadcast_in_dim3A_10 = vector.shape_cast %reduce_sum3A_8 : vector<1025xf32> to vector<1x1025xf32>
    %add3A = vector.broadcast %broadcast_in_dim3A : vector<512x1xf32> to vector<512x1025xf32>
    %add3A_11 = vector.broadcast %broadcast_in_dim3A_10 : vector<1x1025xf32> to vector<512x1025xf32>
    %add3A_12 = arith.addf %add3A, %add3A_11 : vector<512x1025xf32>
    %mul3A_13 = arith.constant 2.000000e+00 : f32
    %mul3A_14 = vector.broadcast %mul3A_13 : f32 to vector<512x1025xf32>
    %mul3A_15 = arith.mulf %mul3A_14, %dot_general3A_9 : vector<512x1025xf32>
    %sub3A = arith.subf %add3A_12, %mul3A_15 : vector<512x1025xf32>
    %reduce_min3A = arith.constant dense<0x7F800000> : vector<512xf32>
    %reduce_min3A_16 = vector.multi_reduction <minimumf>, %sub3A, %reduce_min3A [1] : vector<512x1025xf32> to vector<512xf32>
    %broadcast_in_dim3A_17 = vector.shape_cast %reduce_min3A_16 : vector<512xf32> to vector<512x1xf32>
    %iota3A = tpu.iota {dimensions = array<i32: 1>} : vector<512x1025xi32>
    %eq3A = vector.broadcast %broadcast_in_dim3A_17 : vector<512x1xf32> to vector<512x1025xf32>
    %eq3A_18 = arith.cmpf oeq, %sub3A, %eq3A : vector<512x1025xf32>
    %jit3A = arith.constant 1073741824 : i32
    %broadcast_in_dim3A_19 = vector.broadcast %jit3A : i32 to vector<512x1025xi32>
    %select_n3A = arith.select %eq3A_18, %iota3A, %broadcast_in_dim3A_19 : vector<512x1025xi1>, vector<512x1025xi32>
    %reduce_min3A_20 = arith.constant dense<2147483647> : vector<512xi32>
    %reduce_min3A_21 = vector.multi_reduction <minsi>, %select_n3A, %reduce_min3A_20 [1] : vector<512x1025xi32> to vector<512xi32>
    %broadcast_in_dim3A_22 = vector.shape_cast %reduce_min3A_21 : vector<512xi32> to vector<512x1xi32>
    %swap3A = arith.constant 0 : index
    %swap3A_23 = arith.constant 0 : index
    %swap3A_24 = vector.load %arg4[%swap3A, %swap3A_23] : memref<512x1xi32, #tpu.memory_space<vmem>>, vector<512x1xi32>
    tpu.vector_store %arg4[%swap3A, %swap3A_23], %broadcast_in_dim3A_22 {strides = array<i32>} : memref<512x1xi32, #tpu.memory_space<vmem>>, vector<512x1xi32>,
    %slice3A = vector.extract_strided_slice %sub3A {offsets = [0, 0], sizes = [512, 1024], strides = [1, 1]} : vector<512x1025xf32> to vector<512x1024xf32>
    %slice3A_25 = vector.extract_strided_slice %sub3A {offsets = [0, 1], sizes = [512, 1024], strides = [1, 1]} : vector<512x1025xf32> to vector<512x1024xf32>
    %gt3A = arith.cmpf ogt, %slice3A, %slice3A_25 : vector<512x1024xf32>
    %slice3A_26 = vector.extract_strided_slice %iota3A {offsets = [0, 0], sizes = [512, 1024], strides = [1, 1]} : vector<512x1025xi32> to vector<512x1024xi32>
    %lt3A = arith.constant 1023 : i32
    %lt3A_27 = vector.broadcast %lt3A : i32 to vector<512x1024xi32>
    %lt3A_28 = arith.cmpi slt, %slice3A_26, %lt3A_27 : vector<512x1024xi32>
    %and3A = arith.andi %gt3A, %lt3A_28 : vector<512x1024xi1>
    %convert_element_type3A = arith.extui %and3A : vector<512x1024xi1> to vector<512x1024xi32>
    %convert_element_type3A_29 = arith.sitofp %convert_element_type3A : vector<512x1024xi32> to vector<512x1024xf32>
    %iota3A_30 = tpu.iota {dimensions = array<i32: 0>} : vector<1024x32xi32>
    %iota3A_31 = tpu.iota {dimensions = array<i32: 1>} : vector<1024x32xi32>
    %and3A_32 = arith.constant 31 : i32
    %and3A_33 = vector.broadcast %and3A_32 : i32 to vector<1024x32xi32>
    %and3A_34 = arith.andi %iota3A_30, %and3A_33 : vector<1024x32xi32>
    %shift_right_arithmetic3A = arith.constant 5 : i32
    %shift_right_arithmetic3A_35 = vector.broadcast %shift_right_arithmetic3A : i32 to vector<1024x32xi32>
    %shift_right_arithmetic3A_36 = arith.shrsi %iota3A_30, %shift_right_arithmetic3A_35 : vector<1024x32xi32>
    %eq3A_37 = arith.cmpi eq, %shift_right_arithmetic3A_36, %iota3A_31 : vector<1024x32xi32>
    %lt3A_38 = arith.constant 16 : i32
    %lt3A_39 = vector.broadcast %lt3A_38 : i32 to vector<1024x32xi32>
    %lt3A_40 = arith.cmpi slt, %and3A_34, %lt3A_39 : vector<1024x32xi32>
    %and3A_41 = arith.andi %eq3A_37, %lt3A_40 : vector<1024x32xi1>
    %jit3A_42 = arith.constant 0 : i32
    %broadcast_in_dim3A_43 = vector.broadcast %jit3A_42 : i32 to vector<1024x32xi32>
    %select_n3A_44 = arith.select %lt3A_40, %and3A_34, %broadcast_in_dim3A_43 : vector<1024x32xi1>, vector<1024x32xi32>
    %shift_left3A = arith.constant 1 : i32
    %shift_left3A_45 = vector.broadcast %shift_left3A : i32 to vector<1024x32xi32>
    %shift_left3A_46 = arith.shli %shift_left3A_45, %select_n3A_44 : vector<1024x32xi32>
    %convert_element_type3A_47 = arith.sitofp %shift_left3A_46 : vector<1024x32xi32> to vector<1024x32xf32>
    %jit3A_48 = arith.constant 0.000000e+00 : f32
    %broadcast_in_dim3A_49 = vector.broadcast %jit3A_48 : f32 to vector<1024x32xf32>
    %select_n3A_50 = arith.select %and3A_41, %convert_element_type3A_47, %broadcast_in_dim3A_49 : vector<1024x32xi1>, vector<1024x32xf32>
    %not3A = arith.constant dense<true> : vector<1024x32xi1>
    %not3A_51 = arith.xori %lt3A_40, %not3A : vector<1024x32xi1>
    %and3A_52 = arith.andi %eq3A_37, %not3A_51 : vector<1024x32xi1>
    %sub3A_53 = arith.constant 16 : i32
    %sub3A_54 = vector.broadcast %sub3A_53 : i32 to vector<1024x32xi32>
    %sub3A_55 = arith.subi %and3A_34, %sub3A_54 : vector<1024x32xi32>
    %max3A = arith.constant 0 : i32
    %max3A_56 = vector.broadcast %max3A : i32 to vector<1024x32xi32>
    %max3A_57 = arith.maxsi %sub3A_55, %max3A_56 : vector<1024x32xi32>
    %shift_left3A_58 = arith.constant 1 : i32
    %shift_left3A_59 = vector.broadcast %shift_left3A_58 : i32 to vector<1024x32xi32>
    %shift_left3A_60 = arith.shli %shift_left3A_59, %max3A_57 : vector<1024x32xi32>
    %convert_element_type3A_61 = arith.sitofp %shift_left3A_60 : vector<1024x32xi32> to vector<1024x32xf32>
    %jit3A_62 = arith.constant 0.000000e+00 : f32
    %broadcast_in_dim3A_63 = vector.broadcast %jit3A_62 : f32 to vector<1024x32xf32>
    %select_n3A_64 = arith.select %and3A_52, %convert_element_type3A_61, %broadcast_in_dim3A_63 : vector<1024x32xi1>, vector<1024x32xf32>
    %dot_general3A_65 = arith.constant dense<0.000000e+00> : vector<512x32xf32>
    %dot_general3A_66 = tpu.matmul %convert_element_type3A_29, %select_n3A_50, %dot_general3A_65 {dimension_numbers = #tpu.dot_dimension_numbers<[1], [0], [0], [1], [0, 0, 1, 1], [], []>, transpose_lhs_hint = false} : vector<512x1024xf32>, vector<1024x32xf32>, vector<512x32xf32> -> vector<512x32xf32>
    %dot_general3A_67 = arith.constant dense<0.000000e+00> : vector<512x32xf32>
    %dot_general3A_68 = tpu.matmul %convert_element_type3A_29, %select_n3A_64, %dot_general3A_67 {dimension_numbers = #tpu.dot_dimension_numbers<[1], [0], [0], [1], [0, 0, 1, 1], [], []>, transpose_lhs_hint = false} : vector<512x1024xf32>, vector<1024x32xf32>, vector<512x32xf32> -> vector<512x32xf32>
    %convert_element_type3A_69 = arith.fptosi %dot_general3A_66 : vector<512x32xf32> to vector<512x32xi32>
    %convert_element_type3A_70 = arith.fptosi %dot_general3A_68 : vector<512x32xf32> to vector<512x32xi32>
    %shift_left3A_71 = arith.constant 16 : i32
    %shift_left3A_72 = vector.broadcast %shift_left3A_71 : i32 to vector<512x32xi32>
    %shift_left3A_73 = arith.shli %convert_element_type3A_70, %shift_left3A_72 : vector<512x32xi32>
    %or3A = arith.ori %convert_element_type3A_69, %shift_left3A_73 : vector<512x32xi32>
    %swap3A_74 = arith.constant 0 : index
    %swap3A_75 = arith.constant 0 : index
    %swap3A_76 = vector.load %arg3[%swap3A_74, %swap3A_75] : memref<512x32xi32, #tpu.memory_space<vmem>>, vector<512x32xi32>
    tpu.vector_store %arg3[%swap3A_74, %swap3A_75], %or3A {strides = array<i32>} : memref<512x32xi32, #tpu.memory_space<vmem>>, vector<512x32xi32>,
    return
  }
  func.func @transform_0(%arg0: i32) -> (i32, i32) {
    %c0_i32 = arith.constant 0 : i32
    %c0_i32_0 = arith.constant 0 : i32
    return %arg0, %c0_i32 : i32, i32
  }
  func.func @transform_1(%arg0: i32) -> (i32, i32) {
    %c0_i32 = arith.constant 0 : i32
    %c0_i32_0 = arith.constant 0 : i32
    %c0_i32_1 = arith.constant 0 : i32
    return %c0_i32, %c0_i32_0 : i32, i32
  }
  func.func @transform_2(%arg0: i32) -> (i32, i32) {
    %c0_i32 = arith.constant 0 : i32
    %c0_i32_0 = arith.constant 0 : i32
    return %arg0, %c0_i32 : i32, i32
  }
  func.func @transform_3(%arg0: i32) -> (i32, i32) {
    %c0_i32 = arith.constant 0 : i32
    %c0_i32_0 = arith.constant 0 : i32
    return %arg0, %c0_i32 : i32, i32
  }
}

module attributes {stable_mosaic.version = 14 : i64} {
  func.func @_c3_body(%arg0: i32, %arg1: memref<576x64xf32, #tpu.memory_space<vmem>>, %arg2: memref<1025x64xbf16, #tpu.memory_space<vmem>>, %arg3: memref<1025x64xbf16, #tpu.memory_space<vmem>>, %arg4: memref<1025x64xbf16, #tpu.memory_space<vmem>>, %arg5: memref<576x1xi32, #tpu.memory_space<vmem>>, %arg6: memref<576x1xi32, #tpu.memory_space<vmem>>, %arg7: memref<576x64xf32, #tpu.memory_space<vmem>>, %arg8: memref<576x1xf32, #tpu.memory_space<vmem>>, %arg9: memref<576x1xf32, #tpu.memory_space<vmem>>, %arg10: memref<1x1xi32, #tpu.memory_space<vmem>>, %arg11: memref<1x1xf32, #tpu.memory_space<vmem>>, %arg12: memref<1x1xf32, #tpu.memory_space<vmem>>) attributes {dimension_semantics = [#tpu.dimension_semantics<arbitrary>], iteration_bounds = array<i64: 16>, scalar_prefetch = 0 : i64, scratch_operands = 0 : i64, tpu.core_type = #tpu.core_type<tc>, window_params = [{transform_indices = @transform_0, window_bounds = array<i64: 576, 64>}, {pipeline_mode = #tpu.pipeline_mode<synchronous>, transform_indices = @transform_1, window_bounds = array<i64: 1025, 64>}, {pipeline_mode = #tpu.pipeline_mode<synchronous>, transform_indices = @transform_2, window_bounds = array<i64: 1025, 64>}, {pipeline_mode = #tpu.pipeline_mode<synchronous>, transform_indices = @transform_3, window_bounds = array<i64: 1025, 64>}, {transform_indices = @transform_4, window_bounds = array<i64: 576, 1>}, {transform_indices = @transform_5, window_bounds = array<i64: 576, 1>}, {transform_indices = @transform_6, window_bounds = array<i64: 576, 64>}, {transform_indices = @transform_7, window_bounds = array<i64: 576, 1>}, {transform_indices = @transform_8, window_bounds = array<i64: 576, 1>}, {pipeline_mode = #tpu.pipeline_mode<synchronous>, transform_indices = @transform_9, window_bounds = array<i64: 1, 1>}, {pipeline_mode = #tpu.pipeline_mode<synchronous>, transform_indices = @transform_10, window_bounds = array<i64: 1, 1>}, {pipeline_mode = #tpu.pipeline_mode<synchronous>, transform_indices = @transform_11, window_bounds = array<i64: 1, 1>}]} {
    %get3A = arith.constant 0 : index
    %get3A_0 = arith.constant 0 : index
    %get3A_1 = vector.load %arg1[%get3A, %get3A_0] : memref<576x64xf32, #tpu.memory_space<vmem>>, vector<576x64xf32>
    %get3A_2 = arith.constant 0 : index
    %get3A_3 = arith.constant 0 : index
    %get3A_4 = vector.load %arg5[%get3A_2, %get3A_3] : memref<576x1xi32, #tpu.memory_space<vmem>>, vector<576x1xi32>
    %add3A = arith.constant 1 : i32
    %add3A_5 = vector.broadcast %add3A : i32 to vector<576x1xi32>
    %add3A_6 = arith.addi %get3A_4, %add3A_5 : vector<576x1xi32>
    %min3A = arith.constant 1023 : i32
    %min3A_7 = vector.broadcast %min3A : i32 to vector<576x1xi32>
    %min3A_8 = arith.minsi %add3A_6, %min3A_7 : vector<576x1xi32>
    %get3A_9 = arith.constant 0 : index
    %get3A_10 = arith.constant 0 : index
    %get3A_11 = vector.load %arg6[%get3A_9, %get3A_10] : memref<576x1xi32, #tpu.memory_space<vmem>>, vector<576x1xi32>
    %iota3A = tpu.iota {dimensions = array<i32: 1>} : vector<576x1025xi32>
    %get3A_12 = arith.constant 0 : index
    %get3A_13 = arith.constant 0 : index
    %get3A_14 = vector.load %arg2[%get3A_12, %get3A_13] : memref<1025x64xbf16, #tpu.memory_space<vmem>>, vector<1025x64xbf16>
    %get3A_15 = arith.constant 0 : index
    %get3A_16 = arith.constant 0 : index
    %get3A_17 = vector.load %arg3[%get3A_15, %get3A_16] : memref<1025x64xbf16, #tpu.memory_space<vmem>>, vector<1025x64xbf16>
    %get3A_18 = arith.constant 0 : index
    %get3A_19 = arith.constant 0 : index
    %get3A_20 = vector.load %arg4[%get3A_18, %get3A_19] : memref<1025x64xbf16, #tpu.memory_space<vmem>>, vector<1025x64xbf16>
    %eq3A = vector.broadcast %get3A_4 : vector<576x1xi32> to vector<576x1025xi32>
    %eq3A_21 = arith.cmpi eq, %iota3A, %eq3A : vector<576x1025xi32>
    %convert_element_type3A = arith.extui %eq3A_21 : vector<576x1025xi1> to vector<576x1025xi32>
    %convert_element_type3A_22 = arith.sitofp %convert_element_type3A : vector<576x1025xi32> to vector<576x1025xf32>
    %convert_element_type3A_23 = arith.truncf %convert_element_type3A_22 : vector<576x1025xf32> to vector<576x1025xbf16>
    %dot_general3A = arith.constant dense<0.000000e+00> : vector<576x64xf32>
    %dot_general3A_24 = tpu.matmul %convert_element_type3A_23, %get3A_14, %dot_general3A {dimension_numbers = #tpu.dot_dimension_numbers<[1], [0], [0], [1], [0, 0, 1, 1], [], []>, transpose_lhs_hint = false} : vector<576x1025xbf16>, vector<1025x64xbf16>, vector<576x64xf32> -> vector<576x64xf32>
    %dot_general3A_25 = arith.constant dense<0.000000e+00> : vector<576x64xf32>
    %dot_general3A_26 = tpu.matmul %convert_element_type3A_23, %get3A_17, %dot_general3A_25 {dimension_numbers = #tpu.dot_dimension_numbers<[1], [0], [0], [1], [0, 0, 1, 1], [], []>, transpose_lhs_hint = false} : vector<576x1025xbf16>, vector<1025x64xbf16>, vector<576x64xf32> -> vector<576x64xf32>
    %dot_general3A_27 = arith.constant dense<0.000000e+00> : vector<576x64xf32>
    %dot_general3A_28 = tpu.matmul %convert_element_type3A_23, %get3A_20, %dot_general3A_27 {dimension_numbers = #tpu.dot_dimension_numbers<[1], [0], [0], [1], [0, 0, 1, 1], [], []>, transpose_lhs_hint = false} : vector<576x1025xbf16>, vector<1025x64xbf16>, vector<576x64xf32> -> vector<576x64xf32>
    %add3A_29 = arith.addf %dot_general3A_24, %dot_general3A_26 : vector<576x64xf32>
    %add3A_30 = arith.addf %add3A_29, %dot_general3A_28 : vector<576x64xf32>
    %eq3A_31 = vector.broadcast %min3A_8 : vector<576x1xi32> to vector<576x1025xi32>
    %eq3A_32 = arith.cmpi eq, %iota3A, %eq3A_31 : vector<576x1025xi32>
    %convert_element_type3A_33 = arith.extui %eq3A_32 : vector<576x1025xi1> to vector<576x1025xi32>
    %convert_element_type3A_34 = arith.sitofp %convert_element_type3A_33 : vector<576x1025xi32> to vector<576x1025xf32>
    %convert_element_type3A_35 = arith.truncf %convert_element_type3A_34 : vector<576x1025xf32> to vector<576x1025xbf16>
    %dot_general3A_36 = arith.constant dense<0.000000e+00> : vector<576x64xf32>
    %dot_general3A_37 = tpu.matmul %convert_element_type3A_35, %get3A_14, %dot_general3A_36 {dimension_numbers = #tpu.dot_dimension_numbers<[1], [0], [0], [1], [0, 0, 1, 1], [], []>, transpose_lhs_hint = false} : vector<576x1025xbf16>, vector<1025x64xbf16>, vector<576x64xf32> -> vector<576x64xf32>
    %dot_general3A_38 = arith.constant dense<0.000000e+00> : vector<576x64xf32>
    %dot_general3A_39 = tpu.matmul %convert_element_type3A_35, %get3A_17, %dot_general3A_38 {dimension_numbers = #tpu.dot_dimension_numbers<[1], [0], [0], [1], [0, 0, 1, 1], [], []>, transpose_lhs_hint = false} : vector<576x1025xbf16>, vector<1025x64xbf16>, vector<576x64xf32> -> vector<576x64xf32>
    %dot_general3A_40 = arith.constant dense<0.000000e+00> : vector<576x64xf32>
    %dot_general3A_41 = tpu.matmul %convert_element_type3A_35, %get3A_20, %dot_general3A_40 {dimension_numbers = #tpu.dot_dimension_numbers<[1], [0], [0], [1], [0, 0, 1, 1], [], []>, transpose_lhs_hint = false} : vector<576x1025xbf16>, vector<1025x64xbf16>, vector<576x64xf32> -> vector<576x64xf32>
    %add3A_42 = arith.addf %dot_general3A_37, %dot_general3A_39 : vector<576x64xf32>
    %add3A_43 = arith.addf %add3A_42, %dot_general3A_41 : vector<576x64xf32>
    %eq3A_44 = vector.broadcast %get3A_11 : vector<576x1xi32> to vector<576x1025xi32>
    %eq3A_45 = arith.cmpi eq, %iota3A, %eq3A_44 : vector<576x1025xi32>
    %convert_element_type3A_46 = arith.extui %eq3A_45 : vector<576x1025xi1> to vector<576x1025xi32>
    %convert_element_type3A_47 = arith.sitofp %convert_element_type3A_46 : vector<576x1025xi32> to vector<576x1025xf32>
    %convert_element_type3A_48 = arith.truncf %convert_element_type3A_47 : vector<576x1025xf32> to vector<576x1025xbf16>
    %dot_general3A_49 = arith.constant dense<0.000000e+00> : vector<576x64xf32>
    %dot_general3A_50 = tpu.matmul %convert_element_type3A_48, %get3A_14, %dot_general3A_49 {dimension_numbers = #tpu.dot_dimension_numbers<[1], [0], [0], [1], [0, 0, 1, 1], [], []>, transpose_lhs_hint = false} : vector<576x1025xbf16>, vector<1025x64xbf16>, vector<576x64xf32> -> vector<576x64xf32>
    %dot_general3A_51 = arith.constant dense<0.000000e+00> : vector<576x64xf32>
    %dot_general3A_52 = tpu.matmul %convert_element_type3A_48, %get3A_17, %dot_general3A_51 {dimension_numbers = #tpu.dot_dimension_numbers<[1], [0], [0], [1], [0, 0, 1, 1], [], []>, transpose_lhs_hint = false} : vector<576x1025xbf16>, vector<1025x64xbf16>, vector<576x64xf32> -> vector<576x64xf32>
    %dot_general3A_53 = arith.constant dense<0.000000e+00> : vector<576x64xf32>
    %dot_general3A_54 = tpu.matmul %convert_element_type3A_48, %get3A_20, %dot_general3A_53 {dimension_numbers = #tpu.dot_dimension_numbers<[1], [0], [0], [1], [0, 0, 1, 1], [], []>, transpose_lhs_hint = false} : vector<576x1025xbf16>, vector<1025x64xbf16>, vector<576x64xf32> -> vector<576x64xf32>
    %add3A_55 = arith.addf %dot_general3A_50, %dot_general3A_52 : vector<576x64xf32>
    %add3A_56 = arith.addf %add3A_55, %dot_general3A_54 : vector<576x64xf32>
    %sub3A = arith.subf %get3A_1, %add3A_30 : vector<576x64xf32>
    %mul3A = arith.mulf %sub3A, %sub3A : vector<576x64xf32>
    %reduce_sum3A = arith.constant dense<0.000000e+00> : vector<576xf32>
    %reduce_sum3A_57 = vector.multi_reduction <add>, %mul3A, %reduce_sum3A [1] : vector<576x64xf32> to vector<576xf32>
    %sub3A_58 = arith.subf %get3A_1, %add3A_43 : vector<576x64xf32>
    %mul3A_59 = arith.mulf %sub3A_58, %sub3A_58 : vector<576x64xf32>
    %reduce_sum3A_60 = arith.constant dense<0.000000e+00> : vector<576xf32>
    %reduce_sum3A_61 = vector.multi_reduction <add>, %mul3A_59, %reduce_sum3A_60 [1] : vector<576x64xf32> to vector<576xf32>
    %sub3A_62 = arith.subf %get3A_1, %add3A_56 : vector<576x64xf32>
    %mul3A_63 = arith.mulf %sub3A_62, %sub3A_62 : vector<576x64xf32>
    %reduce_sum3A_64 = arith.constant dense<0.000000e+00> : vector<576xf32>
    %reduce_sum3A_65 = vector.multi_reduction <add>, %mul3A_63, %reduce_sum3A_64 [1] : vector<576x64xf32> to vector<576xf32>
    %mul3A_66 = arith.constant 2.000000e-01 : f32
    %mul3A_67 = vector.broadcast %mul3A_66 : f32 to vector<576xf32>
    %mul3A_68 = arith.mulf %reduce_sum3A_57, %mul3A_67 : vector<576xf32>
    %add3A_69 = arith.addf %reduce_sum3A_57, %mul3A_68 : vector<576xf32>
    %mul3A_70 = arith.constant 2.000000e-01 : f32
    %mul3A_71 = vector.broadcast %mul3A_70 : f32 to vector<576xf32>
    %mul3A_72 = arith.mulf %reduce_sum3A_61, %mul3A_71 : vector<576xf32>
    %add3A_73 = arith.addf %reduce_sum3A_61, %mul3A_72 : vector<576xf32>
    %mul3A_74 = arith.constant 2.000000e-01 : f32
    %mul3A_75 = vector.broadcast %mul3A_74 : f32 to vector<576xf32>
    %mul3A_76 = arith.mulf %reduce_sum3A_65, %mul3A_75 : vector<576xf32>
    %add3A_77 = arith.addf %reduce_sum3A_65, %mul3A_76 : vector<576xf32>
    %lt3A = arith.cmpf olt, %add3A_77, %add3A_69 : vector<576xf32>
    %jit3A = arith.constant 0.000000e+00 : f32
    %broadcast_in_dim3A = vector.broadcast %jit3A : f32 to vector<576xf32>
    %select_n3A = arith.select %lt3A, %add3A_77, %broadcast_in_dim3A : vector<576xi1>, vector<576xf32>
    %lt3A_78 = arith.cmpf olt, %add3A_77, %add3A_73 : vector<576xf32>
    %jit3A_79 = arith.constant 0.000000e+00 : f32
    %broadcast_in_dim3A_80 = vector.broadcast %jit3A_79 : f32 to vector<576xf32>
    %select_n3A_81 = arith.select %lt3A_78, %add3A_77, %broadcast_in_dim3A_80 : vector<576xi1>, vector<576xf32>
    %sub3A_82 = arith.subf %reduce_sum3A_61, %reduce_sum3A_57 : vector<576xf32>
    %mul3A_83 = arith.constant 2.000000e-01 : f32
    %mul3A_84 = vector.broadcast %mul3A_83 : f32 to vector<576xf32>
    %mul3A_85 = arith.mulf %sub3A_82, %mul3A_84 : vector<576xf32>
    %add3A_86 = arith.addf %sub3A_82, %mul3A_85 : vector<576xf32>
    %sub3A_87 = arith.subf %add3A_30, %get3A_1 : vector<576x64xf32>
    %add3A_88 = arith.addf %get3A_1, %sub3A_87 : vector<576x64xf32>
    %swap3A = arith.constant 0 : index
    %swap3A_89 = arith.constant 0 : index
    %swap3A_90 = vector.load %arg7[%swap3A, %swap3A_89] : memref<576x64xf32, #tpu.memory_space<vmem>>, vector<576x64xf32>
    tpu.vector_store %arg7[%swap3A, %swap3A_89], %add3A_88 {strides = array<i32>} : memref<576x64xf32, #tpu.memory_space<vmem>>, vector<576x64xf32>,
    %neg3A = arith.constant 0.000000e+00 : f32
    %neg3A_91 = vector.broadcast %neg3A : f32 to vector<576xf32>
    %neg3A_92 = arith.subf %neg3A_91, %add3A_73 : vector<576xf32>
    %add3A_93 = arith.addf %add3A_69, %neg3A_92 : vector<576xf32>
    %sub3A_94 = arith.subf %add3A_93, %select_n3A : vector<576xf32>
    %broadcast_in_dim3A_95 = vector.shape_cast %sub3A_94 : vector<576xf32> to vector<576x1xf32>
    %swap3A_96 = arith.constant 0 : index
    %swap3A_97 = arith.constant 0 : index
    %swap3A_98 = vector.load %arg8[%swap3A_96, %swap3A_97] : memref<576x1xf32, #tpu.memory_space<vmem>>, vector<576x1xf32>
    tpu.vector_store %arg8[%swap3A_96, %swap3A_97], %broadcast_in_dim3A_95 {strides = array<i32>} : memref<576x1xf32, #tpu.memory_space<vmem>>, vector<576x1xf32>,
    %neg3A_99 = arith.constant 0.000000e+00 : f32
    %neg3A_100 = vector.broadcast %neg3A_99 : f32 to vector<576xf32>
    %neg3A_101 = arith.subf %neg3A_100, %add3A_69 : vector<576xf32>
    %add3A_102 = arith.addf %add3A_73, %neg3A_101 : vector<576xf32>
    %sub3A_103 = arith.subf %add3A_102, %select_n3A_81 : vector<576xf32>
    %broadcast_in_dim3A_104 = vector.shape_cast %sub3A_103 : vector<576xf32> to vector<576x1xf32>
    %swap3A_105 = arith.constant 0 : index
    %swap3A_106 = arith.constant 0 : index
    %swap3A_107 = vector.load %arg9[%swap3A_105, %swap3A_106] : memref<576x1xf32, #tpu.memory_space<vmem>>, vector<576x1xf32>
    tpu.vector_store %arg9[%swap3A_105, %swap3A_106], %broadcast_in_dim3A_104 {strides = array<i32>} : memref<576x1xf32, #tpu.memory_space<vmem>>, vector<576x1xf32>,
    %squeeze3A = vector.shape_cast %get3A_4 : vector<576x1xi32> to vector<576xi32>
    %slice3A = vector.extract_strided_slice %squeeze3A {offsets = [1], sizes = [575], strides = [1]} : vector<576xi32> to vector<575xi32>
    %slice3A_108 = vector.extract_strided_slice %squeeze3A {offsets = [0], sizes = [575], strides = [1]} : vector<576xi32> to vector<575xi32>
    %sub3A_109 = arith.subi %slice3A, %slice3A_108 : vector<575xi32>
    %ne3A = arith.constant 0 : i32
    %ne3A_110 = vector.broadcast %ne3A : i32 to vector<575xi32>
    %ne3A_111 = arith.cmpi ne, %sub3A_109, %ne3A_110 : vector<575xi32>
    %slice3A_112 = vector.extract_strided_slice %add3A_86 {offsets = [1], sizes = [575], strides = [1]} : vector<576xf32> to vector<575xf32>
    %slice3A_113 = vector.extract_strided_slice %add3A_86 {offsets = [0], sizes = [575], strides = [1]} : vector<576xf32> to vector<575xf32>
    %sub3A_114 = arith.subf %slice3A_112, %slice3A_113 : vector<575xf32>
    %jit3A_115 = arith.constant 0.000000e+00 : f32
    %broadcast_in_dim3A_116 = vector.broadcast %jit3A_115 : f32 to vector<575xf32>
    %select_n3A_117 = arith.select %ne3A_111, %broadcast_in_dim3A_116, %sub3A_114 : vector<575xi1>, vector<575xf32>
    %add3A_118 = arith.constant 9.76562497E-10 : f32
    %add3A_119 = vector.broadcast %add3A_118 : f32 to vector<575xf32>
    %add3A_120 = arith.addf %select_n3A_117, %add3A_119 : vector<575xf32>
    %max3A = arith.constant 0.000000e+00 : f32
    %max3A_121 = vector.broadcast %max3A : f32 to vector<575xf32>
    %max3A_122 = arith.maximumf %add3A_120, %max3A_121 : vector<575xf32>
    %reduce_sum3A_123 = vector.shape_cast %max3A_122 : vector<575xf32> to vector<1x575xf32>
    %reduce_sum3A_124 = arith.constant dense<0.000000e+00> : vector<1xf32>
    %reduce_sum3A_125 = vector.multi_reduction <add>, %reduce_sum3A_123, %reduce_sum3A_124 [1] : vector<1x575xf32> to vector<1xf32>
    %reduce_sum3A_126 = vector.shape_cast %reduce_sum3A_125 : vector<1xf32> to vector<1x1xf32>
    %reduce_sum3A_127 = vector.extract %reduce_sum3A_126[0, 0] : f32 from vector<1x1xf32>
    %reduce_sum3A_128 = vector.shape_cast %add3A_86 : vector<576xf32> to vector<1x576xf32>
    %reduce_sum3A_129 = arith.constant dense<0.000000e+00> : vector<1xf32>
    %reduce_sum3A_130 = vector.multi_reduction <add>, %reduce_sum3A_128, %reduce_sum3A_129 [1] : vector<1x576xf32> to vector<1xf32>
    %reduce_sum3A_131 = vector.shape_cast %reduce_sum3A_130 : vector<1xf32> to vector<1x1xf32>
    %reduce_sum3A_132 = vector.extract %reduce_sum3A_131[0, 0] : f32 from vector<1x1xf32>
    %reduce_max3A = vector.shape_cast %squeeze3A : vector<576xi32> to vector<1x576xi32>
    %reduce_max3A_133 = arith.constant dense<-2147483648> : vector<1xi32>
    %reduce_max3A_134 = vector.multi_reduction <maxsi>, %reduce_max3A, %reduce_max3A_133 [1] : vector<1x576xi32> to vector<1xi32>
    %reduce_max3A_135 = vector.shape_cast %reduce_max3A_134 : vector<1xi32> to vector<1x1xi32>
    %reduce_max3A_136 = vector.extract %reduce_max3A_135[0, 0] : i32 from vector<1x1xi32>
    %reduce_min3A = vector.shape_cast %squeeze3A : vector<576xi32> to vector<1x576xi32>
    %reduce_min3A_137 = arith.constant dense<2147483647> : vector<1xi32>
    %reduce_min3A_138 = vector.multi_reduction <minsi>, %reduce_min3A, %reduce_min3A_137 [1] : vector<1x576xi32> to vector<1xi32>
    %reduce_min3A_139 = vector.shape_cast %reduce_min3A_138 : vector<1xi32> to vector<1x1xi32>
    %reduce_min3A_140 = vector.extract %reduce_min3A_139[0, 0] : i32 from vector<1x1xi32>
    %sub3A_141 = arith.subi %reduce_max3A_136, %reduce_min3A_140 : i32
    %eq3A_142 = arith.constant 0 : i32
    %eq3A_143 = arith.cmpi eq, %arg0, %eq3A_142 : i32
    %convert_element_type3A_144 = arith.extui %eq3A_143 : i1 to i32
    %cond3A = arith.constant 0 : i32
    %cond3A_145 = arith.cmpi ne, %convert_element_type3A_144, %cond3A : i32
    scf.if %cond3A_145 {
      %broadcast_in_dim3A_174 = arith.constant 0 : i32
      %broadcast_in_dim3A_175 = vector.broadcast %broadcast_in_dim3A_174 : i32 to vector<1x1xi32>
      %swap3A_176 = arith.constant 0 : index
      %swap3A_177 = arith.constant 0 : index
      %swap3A_178 = vector.load %arg10[%swap3A_176, %swap3A_177] : memref<1x1xi32, #tpu.memory_space<vmem>>, vector<1x1xi32>
      tpu.vector_store %arg10[%swap3A_176, %swap3A_177], %broadcast_in_dim3A_175 {strides = array<i32>} : memref<1x1xi32, #tpu.memory_space<vmem>>, vector<1x1xi32>,
      %broadcast_in_dim3A_179 = arith.constant 0.000000e+00 : f32
      %broadcast_in_dim3A_180 = vector.broadcast %broadcast_in_dim3A_179 : f32 to vector<1x1xf32>
      %swap3A_181 = arith.constant 0 : index
      %swap3A_182 = arith.constant 0 : index
      %swap3A_183 = vector.load %arg11[%swap3A_181, %swap3A_182] : memref<1x1xf32, #tpu.memory_space<vmem>>, vector<1x1xf32>
      tpu.vector_store %arg11[%swap3A_181, %swap3A_182], %broadcast_in_dim3A_180 {strides = array<i32>} : memref<1x1xf32, #tpu.memory_space<vmem>>, vector<1x1xf32>,
      %broadcast_in_dim3A_184 = arith.constant 0.000000e+00 : f32
      %broadcast_in_dim3A_185 = vector.broadcast %broadcast_in_dim3A_184 : f32 to vector<1x1xf32>
      %swap3A_186 = arith.constant 0 : index
      %swap3A_187 = arith.constant 0 : index
      %swap3A_188 = vector.load %arg12[%swap3A_186, %swap3A_187] : memref<1x1xf32, #tpu.memory_space<vmem>>, vector<1x1xf32>
      tpu.vector_store %arg12[%swap3A_186, %swap3A_187], %broadcast_in_dim3A_185 {strides = array<i32>} : memref<1x1xf32, #tpu.memory_space<vmem>>, vector<1x1xf32>,
    } else {
    }
    %get3A_146 = arith.constant 0 : index
    %get3A_147 = arith.constant 0 : index
    %get3A_148 = vector.load %arg10[%get3A_146, %get3A_147] : memref<1x1xi32, #tpu.memory_space<vmem>>, vector<1x1xi32>
    %reshape3A = vector.broadcast %sub3A_141 : i32 to vector<1x1xi32>
    %max3A_149 = arith.maxsi %get3A_148, %reshape3A : vector<1x1xi32>
    %swap3A_150 = arith.constant 0 : index
    %swap3A_151 = arith.constant 0 : index
    %swap3A_152 = vector.load %arg10[%swap3A_150, %swap3A_151] : memref<1x1xi32, #tpu.memory_space<vmem>>, vector<1x1xi32>
    tpu.vector_store %arg10[%swap3A_150, %swap3A_151], %max3A_149 {strides = array<i32>} : memref<1x1xi32, #tpu.memory_space<vmem>>, vector<1x1xi32>,
    %get3A_153 = arith.constant 0 : index
    %get3A_154 = arith.constant 0 : index
    %get3A_155 = vector.load %arg11[%get3A_153, %get3A_154] : memref<1x1xf32, #tpu.memory_space<vmem>>, vector<1x1xf32>
    %reshape3A_156 = vector.broadcast %reduce_sum3A_132 : f32 to vector<1x1xf32>
    %add3A_157 = arith.addf %get3A_155, %reshape3A_156 : vector<1x1xf32>
    %swap3A_158 = arith.constant 0 : index
    %swap3A_159 = arith.constant 0 : index
    %swap3A_160 = vector.load %arg11[%swap3A_158, %swap3A_159] : memref<1x1xf32, #tpu.memory_space<vmem>>, vector<1x1xf32>
    tpu.vector_store %arg11[%swap3A_158, %swap3A_159], %add3A_157 {strides = array<i32>} : memref<1x1xf32, #tpu.memory_space<vmem>>, vector<1x1xf32>,
    %get3A_161 = arith.constant 0 : index
    %get3A_162 = arith.constant 0 : index
    %get3A_163 = vector.load %arg12[%get3A_161, %get3A_162] : memref<1x1xf32, #tpu.memory_space<vmem>>, vector<1x1xf32>
    %reshape3A_164 = vector.broadcast %reduce_sum3A_127 : f32 to vector<1x1xf32>
    %add3A_165 = arith.addf %get3A_163, %reshape3A_164 : vector<1x1xf32>
    %swap3A_166 = arith.constant 0 : index
    %swap3A_167 = arith.constant 0 : index
    %swap3A_168 = vector.load %arg12[%swap3A_166, %swap3A_167] : memref<1x1xf32, #tpu.memory_space<vmem>>, vector<1x1xf32>
    tpu.vector_store %arg12[%swap3A_166, %swap3A_167], %add3A_165 {strides = array<i32>} : memref<1x1xf32, #tpu.memory_space<vmem>>, vector<1x1xf32>,
    %eq3A_169 = arith.constant 15 : i32
    %eq3A_170 = arith.cmpi eq, %arg0, %eq3A_169 : i32
    %convert_element_type3A_171 = arith.extui %eq3A_170 : i1 to i32
    %cond3A_172 = arith.constant 0 : i32
    %cond3A_173 = arith.cmpi ne, %convert_element_type3A_171, %cond3A_172 : i32
    scf.if %cond3A_173 {
      %get3A_174 = arith.constant 0 : index
      %get3A_175 = arith.constant 0 : index
      %get3A_176 = vector.load %arg11[%get3A_174, %get3A_175] : memref<1x1xf32, #tpu.memory_space<vmem>>, vector<1x1xf32>
      %div3A = arith.constant 9.216000e+03 : f32
      %div3A_177 = vector.broadcast %div3A : f32 to vector<1x1xf32>
      %div3A_178 = arith.divf %get3A_176, %div3A_177 : vector<1x1xf32>
      %swap3A_179 = arith.constant 0 : index
      %swap3A_180 = arith.constant 0 : index
      %swap3A_181 = vector.load %arg11[%swap3A_179, %swap3A_180] : memref<1x1xf32, #tpu.memory_space<vmem>>, vector<1x1xf32>
      tpu.vector_store %arg11[%swap3A_179, %swap3A_180], %div3A_178 {strides = array<i32>} : memref<1x1xf32, #tpu.memory_space<vmem>>, vector<1x1xf32>,
      %get3A_182 = arith.constant 0 : index
      %get3A_183 = arith.constant 0 : index
      %get3A_184 = vector.load %arg12[%get3A_182, %get3A_183] : memref<1x1xf32, #tpu.memory_space<vmem>>, vector<1x1xf32>
      %div3A_185 = arith.constant 9.200000e+03 : f32
      %div3A_186 = vector.broadcast %div3A_185 : f32 to vector<1x1xf32>
      %div3A_187 = arith.divf %get3A_184, %div3A_186 : vector<1x1xf32>
      %swap3A_188 = arith.constant 0 : index
      %swap3A_189 = arith.constant 0 : index
      %swap3A_190 = vector.load %arg12[%swap3A_188, %swap3A_189] : memref<1x1xf32, #tpu.memory_space<vmem>>, vector<1x1xf32>
      tpu.vector_store %arg12[%swap3A_188, %swap3A_189], %div3A_187 {strides = array<i32>} : memref<1x1xf32, #tpu.memory_space<vmem>>, vector<1x1xf32>,
    } else {
    }
    return
  }
  func.func @transform_0(%arg0: i32) -> (i32, i32) {
    %c0_i32 = arith.constant 0 : i32
    %c0_i32_0 = arith.constant 0 : i32
    return %arg0, %c0_i32 : i32, i32
  }
  func.func @transform_1(%arg0: i32) -> (i32, i32) {
    %c0_i32 = arith.constant 0 : i32
    %c0_i32_0 = arith.constant 0 : i32
    %c0_i32_1 = arith.constant 0 : i32
    return %c0_i32, %c0_i32_0 : i32, i32
  }
  func.func @transform_2(%arg0: i32) -> (i32, i32) {
    %c0_i32 = arith.constant 0 : i32
    %c0_i32_0 = arith.constant 0 : i32
    %c0_i32_1 = arith.constant 0 : i32
    return %c0_i32, %c0_i32_0 : i32, i32
  }
  func.func @transform_3(%arg0: i32) -> (i32, i32) {
    %c0_i32 = arith.constant 0 : i32
    %c0_i32_0 = arith.constant 0 : i32
    %c0_i32_1 = arith.constant 0 : i32
    return %c0_i32, %c0_i32_0 : i32, i32
  }
  func.func @transform_4(%arg0: i32) -> (i32, i32) {
    %c0_i32 = arith.constant 0 : i32
    %c0_i32_0 = arith.constant 0 : i32
    return %arg0, %c0_i32 : i32, i32
  }
  func.func @transform_5(%arg0: i32) -> (i32, i32) {
    %c0_i32 = arith.constant 0 : i32
    %c0_i32_0 = arith.constant 0 : i32
    return %arg0, %c0_i32 : i32, i32
  }
  func.func @transform_6(%arg0: i32) -> (i32, i32) {
    %c0_i32 = arith.constant 0 : i32
    %c0_i32_0 = arith.constant 0 : i32
    return %arg0, %c0_i32 : i32, i32
  }
  func.func @transform_7(%arg0: i32) -> (i32, i32) {
    %c0_i32 = arith.constant 0 : i32
    %c0_i32_0 = arith.constant 0 : i32
    return %arg0, %c0_i32 : i32, i32
  }
  func.func @transform_8(%arg0: i32) -> (i32, i32) {
    %c0_i32 = arith.constant 0 : i32
    %c0_i32_0 = arith.constant 0 : i32
    return %arg0, %c0_i32 : i32, i32
  }
  func.func @transform_9(%arg0: i32) -> (i32, i32) {
    %c0_i32 = arith.constant 0 : i32
    %c0_i32_0 = arith.constant 0 : i32
    %c0_i32_1 = arith.constant 0 : i32
    return %c0_i32, %c0_i32_0 : i32, i32
  }
  func.func @transform_10(%arg0: i32) -> (i32, i32) {
    %c0_i32 = arith.constant 0 : i32
    %c0_i32_0 = arith.constant 0 : i32
    %c0_i32_1 = arith.constant 0 : i32
    return %c0_i32, %c0_i32_0 : i32, i32
  }
  func.func @transform_11(%arg0: i32) -> (i32, i32) {
    %c0_i32 = arith.constant 0 : i32
    %c0_i32_0 = arith.constant 0 : i32
    %c0_i32_1 = arith.constant 0 : i32
    return %c0_i32, %c0_i32_0 : i32, i32
  }
}

</mosaic_0001>

<sc_bundles>
// kernel: kernel.5.cloned.1.call-start
scs
__scs_entry_jumppad:
0x0: {  	(pc) =	sbr.rel $0x88, $3  }
0x1: {  	(tag) =	ssettag $0x0;
	lr =	simm.s32 $0x1  }
0x2: {  	[smem:$0x3F9F] =	sst lr;
	_ =	strace $0xD0000000  }
0x3: {  	_ = 	snop  }
0x4: {  	_ = 	snop  }
0x5: {  	_ = 	snop  }
0x6: {  	_ = 	snop  }
0x7: {  	_ = 	snop  }
__scs_overlays_trampoline_lowered:
0x8: {  	[smem:$0x3FAE] =	sst s0  }
0x9: {  	[smem:$0x3FAF] =	sst s1  }
0xa: {  	[smem:$0x3FB0] =	sst s2  }
0xb: {  	[smem:$0x3FB1] =	sst s3  }
0xc: {  	[smem:$0x3FB2] =	sst s4  }
0xd: {  	[smem:$0x3FB3] =	sst s5  }
0xe: {  	[smem:$0x3FB4] =	sst s6  }
0xf: {  	[smem:$0x3FB5] =	sst s7  }
0x10: {  	[smem:$0x3FB6] =	sst s8  }
0x11: {  	[smem:$0x3FB7] =	sst s9;
	s0 =	simm.s32 @!p0 $0x0  }
0x12: {  	s1 =	sld [smem:$0x3F9D];
	s0 =	simm.s32 @p0 $0x1  }
0x13: {  	[smem:$0x3FB8] =	sst s0;
	s0 =	simm.s32 @!p1 $0x0  }
0x14: {  	s2 =	sld [smem:$0x3F9C];
	s0 =	simm.s32 @p1 $0x1  }
0x15: {  	[smem:$0x3FB9] =	sst s0;
	s0 =	simm.s32 @!p2 $0x0  }
0x16: {  	s3 =	sld [smem:$0x3FDB];
	s0 =	simm.s32 @p2 $0x1  }
0x17: {  	s4 =	simm.s32 $0x1BF5;
	[smem:$0x3FBB] =	sst s0  }
0x18: {  	s0 =	sld [smem:$0x3F9E];
	_ =	swait.ge [sflag:s4], $0x0  }
0x19: {  	s7 =	sld [smem:$0x3F9F]  }
0x1a: {  	s8 =	sadd.s32 $0xFFFFE003, lr  }
0x1b: {  	s9 =	sadd.s32 $0xFFFFFEF7, lr;
	s5 =	simm.s32 $0xFFFFFFFF;
	p2 =	slt.u32 s8, $0xFFFFF086  }
0x1c: {  	p1 =	slt.u32 s9, $0xF7A;
	s5 =	simm.s32 @!p2 $0x0  }
0x1d: {  	s5 =	simm.s32 @p1 $0x1;
	p0 =	seq.s32 s7, s2  }
0x1e: {  	s7 =	smul.u32 @!p0 $0xF7A, s2;
	p2 =	seq.s32 @!p0 s5, $0x0  }
0x1f: {  	s9 =	smul.u32 $0xF7A, s1;
	s8 =	simm.s32 @!p0 $0x1BF5;
	p2 =	por !p2, p0  }
0x20: {  	[sflag:s8] =	ssyncset.s32 @!p0 $0xFFFFF086;
	s6 =	sadd.s32 @!p0 s3, s7;
	s7 =	simm.s32 @!p0 $0x108  }
0x21: {  	s3 =	sadd.s32 s3, s9;
	s6 =	sadd.s32 @!p0 $0x88, s6;
	s7 =	simm.s32 @p2 $0x1082  }
0x22: {  	[simem:s7], [sflag:s8] =	dma.local @!p0 [hbm:s6], $0xF7A  }
0x23: {  	s9 =	sor.u32 $0xD0000000, s2;
	s6 =	simm.s32 $0x108;
	_ =	swait.ge @!p0 [sflag:s8], $0x0  }
0x24: {  	s3 =	sadd.s32 $0x88, s3;
	s6 =	simm.s32 @!p1 $0x1082;
	[sflag:s4] =	ssyncset.s32 $0xFFFFF086  }
0x25: {  	[simem:s6], [sflag:s4] =	dma.local [hbm:s3], $0xF7A  }
0x26: {  	[smem:$0x3F9F] =	sst s1;
	(tag) =	ssettag s2;
	_ =	strace s9  }
0x27: {  	s1 =	sld [smem:$0x3FAF]  }
0x28: {  	s2 =	sld [smem:$0x3FB0]  }
0x29: {  	s4 =	sld [smem:$0x3FB2]  }
0x2a: {  	p0 =	seq.s32 s5, $0x0;
	s5 =	sld [smem:$0x3FB3]  }
0x2b: {  	s6 =	sld [smem:$0x3FB4]  }
0x2c: {  	s7 =	sld [smem:$0x3FB5]  }
0x2d: {  	s3 =	simm.s32 $0x108;
	s8 =	sld [smem:$0x3FB6]  }
0x2e: {  	s3 =	simm.s32 @!p0 $0x1082;
	s9 =	sld [smem:$0x3FB7]  }
0x2f: {  	lr =	sadd.s32 s0, s3;
	s0 =	sld [smem:$0x3FAE]  }
0x30: {  	s3 =	sld [smem:$0x3FB1]  }
0x31: {  	[smem:$0x3FBA] =	sst s10  }
0x32: {  	s10 =	sld [smem:$0x3FB8];
	_ =	sdelay $0x3  }
0x33: {  	p0 =	seq.s32 s10, $0x1;
	s10 =	sld [smem:$0x3FBA];
	_ =	sdelay $0x3  }
0x34: {  	[smem:$0x3FBA] =	sst s10  }
0x35: {  	s10 =	sld [smem:$0x3FB9];
	_ =	sdelay $0x3  }
0x36: {  	p1 =	seq.s32 s10, $0x1;
	s10 =	sld [smem:$0x3FBA];
	_ =	sdelay $0x3  }
0x37: {  	[smem:$0x3FBA] =	sst s10  }
0x38: {  	s10 =	sld [smem:$0x3FBB]  }
0x39: {  	_ = 	snop;
	(pc) =	sbr.ind lr, $3  }
0x3a: {  	_ = 	snop  }
0x3b: {  	_ = 	snop  }
0x3c: {  	p2 =	seq.s32 s10, $0x1;
	s10 =	sld [smem:$0x3FBA]  }
0x3d: {  	_ =	shalt  }
0x3e: {  	_ =	shalt  }
0x3f: {  	_ =	shalt  }
0x40: {  	_ =	shalt  }
0x41: {  	_ =	shalt  }
0x42: {  	_ =	shalt  }
0x43: {  	_ =	shalt  }
0x44: {  	_ =	shalt  }
0x45: {  	_ =	shalt  }
0x46: {  	_ =	shalt  }
0x47: {  	_ =	shalt  }
0x48: {  	_ =	shalt  }
0x49: {  	_ =	shalt  }
0x4a: {  	_ =	shalt  }
0x4b: {  	_ =	shalt  }
0x4c: {  	_ =	shalt  }
0x4d: {  	_ =	shalt  }
0x4e: {  	_ =	shalt  }
0x4f: {  	_ =	shalt  }
0x50: {  	_ =	shalt  }
0x51: {  	_ =	shalt  }
0x52: {  	_ =	shalt  }
0x53: {  	_ =	shalt  }
0x54: {  	_ =	shalt  }
0x55: {  	_ =	shalt  }
0x56: {  	_ =	shalt  }
0x57: {  	_ =	shalt  }
0x58: {  	_ =	shalt  }
0x59: {  	_ =	shalt  }
0x5a: {  	_ =	shalt  }
0x5b: {  	_ =	shalt  }
0x5c: {  	_ =	shalt  }
0x5d: {  	_ =	shalt  }
0x5e: {  	_ =	shalt  }
0x5f: {  	_ =	shalt  }
0x60: {  	_ =	shalt  }
0x61: {  	_ =	shalt  }
0x62: {  	_ =	shalt  }
0x63: {  	_ =	shalt  }
0x64: {  	_ =	shalt  }
0x65: {  	_ =	shalt  }
0x66: {  	_ =	shalt  }
0x67: {  	_ =	shalt  }
0x68: {  	_ =	shalt  }
0x69: {  	_ =	shalt  }
0x6a: {  	_ =	shalt  }
0x6b: {  	_ =	shalt  }
0x6c: {  	_ =	shalt  }
0x6d: {  	_ =	shalt  }
0x6e: {  	_ =	shalt  }
0x6f: {  	_ =	shalt  }
0x70: {  	_ =	shalt  }
0x71: {  	_ =	shalt  }
0x72: {  	_ =	shalt  }
0x73: {  	_ =	shalt  }
0x74: {  	_ =	shalt  }
0x75: {  	_ =	shalt  }
0x76: {  	_ =	shalt  }
0x77: {  	_ =	shalt  }
0x78: {  	_ =	shalt  }
0x79: {  	_ =	shalt  }
0x7a: {  	_ =	shalt  }
0x7b: {  	_ =	shalt  }
0x7c: {  	_ =	shalt  }
0x7d: {  	_ =	shalt  }
0x7e: {  	_ =	shalt  }
0x7f: {  	_ =	shalt  }
0x80: {  	_ =	shalt  }
0x81: {  	_ =	shalt  }
0x82: {  	_ =	shalt  }
0x83: {  	_ =	shalt  }
0x84: {  	_ =	shalt  }
0x85: {  	_ =	shalt  }
0x86: {  	_ =	shalt  }
0x87: {  	_ =	shalt  }
.Lfunc_end0:
.L_simem_size_0:
called_computation_lowered:
.L_overlay_start_0:
0x88: {  	s2 =	sld [smem:$0x3FD9]  }
0x89: {  	s3 =	sld [smem:$0x3FFE];
	_ =	sdelay $0x1  }
0x8a: {  	s1 =	srdreg.scid  }
0x8b: {  	s0 =	sand.u32 $0x1, s1  }
0x8c: {  	s15 =	sshll.u32 s0, $0xA;
	s2 =	sadd.s32 s3, s2  }
0x8d: {  	s2 =	sadd.s32 s2, s15  }
0x8e: {  	[smem:$0x3FC6] =	sst s2  }
0x8f: {  	_ = 	snop  }
0x90: {  	s2 =	sld [smem:$0x3FD0];
	_ =	sdelay $0x2  }
0x91: {  	s16 =	simm.s32 $0xA;
	s4 =	simm.s32 $0x10  }
0x92: {  	[smem:s4], [sflag:s16] =	dma.local [hbm:s2], $0x1  }
0x93: {  	_ =	swait.eq [sflag:s16], $0x1  }
0x94: {  	s17 =	sld [smem:$0x10];
	[sflag:s16] =	ssyncset.done $0x0  }
0x95: {  	s18 =	sld [smem:$0x11];
	[sflag:s16] =	ssyncadd.s32 $0xFFFFFFFF  }
0x96: {  	s19 =	sld [smem:$0x14];
	(tm) =	ssettm $0x1  }
0x97: {  	s5 =	sld [smem:$0x3FFB];
	_ =	sdelay $0x3  }
0x98: {  	_ =	strace s5  }
0x99: {  	s5 =	sld [smem:$0x3FFC];
	_ =	sdelay $0x3  }
0x9a: {  	_ =	strace s5  }
0x9b: {  	s5 =	sld [smem:$0x3FFD];
	_ =	sdelay $0x3  }
0x9c: {  	_ =	strace s5  }
0x9d: {  	_ =	strace $0x8FFFFFFF  }
0x9e: {  	s20 =	sld [smem:$0x3FDB];
	_ =	sdelay $0x1  }
0x9f: {  	s6 =	simm.s32 $_scs_section_size  }
0xa0: {  	s7 =	simm.s32 $_size__tile_overlayer_lowered;
	s8 =	simm.s32 $_tile_overlayer_lowered  }
0xa1: {  	s23 =	simm.s32 $0x1BFF;
	s22 =	sshll.u32 s8, $0x1;
	s5 =	sadd.s32 s6, s20  }
0xa2: {  	s9 =	simm.s32 $0x0;
	s21 =	sshll.u32 s7, $0x1;
	s7 =	sadd.s32 s22, s5  }
0xa3: {  	[timem:s9], [sflag:s23] =	dma.local [hbm:s7], s21  }
0xa4: {  	_ =	swait.ge [sflag:s23], s21  }
0xa5: {  	s6 =	ssub.s32 $0x0, s21;
	[sflag:s23] =	ssyncset.done $0x0  }
0xa6: {  	[sflag:s23] =	ssyncadd.s32 s6;
	_ =	sdelay $0x1  }
0xa7: {  	s24 =	simm.s32 $0x1B8B  }
0xa8: {  	_ =	swait.ge [sflag:s24], $0x1  }
0xa9: {  	[sflag:s24] =	ssyncset.done $0x0  }
0xaa: {  	s25 =	simm.s32 $0x1B8E;
	[sflag:s24] =	ssyncadd.s32 $0xFFFFFFFF  }
0xab: {  	s26 =	simm.s32 $execute0_lowered;
	[smem:$0x3FD2] =	sst s25  }
0xac: {  	s6 =	sshll.u32 s26, $0x1;
	_ =	strace $0x80000046;
	[dreg:$0x1] =	wrdreg $0xFFFFFFFF  }
0xad: {  	s28 =	simm.s32 $_size_execute0_lowered;
	s5 =	sadd.s32 s5, s6;
	[dreg:$0x0] =	wrdreg $0x0  }
0xae: {  	s6 =	sshll.u32 s28, $0x1;
	[dreg:$0x2] =	wrdreg s5  }
0xaf: {  	[dreg:$0x3] =	wrdreg s6  }
0xb0: {  	[dreg:$0x4] =	wrdreg $0xC0  }
0xb1: {  	_ =	task [dreg:s9], $0x5FFFF  }
0xb2: {  	[dreg:$0x1] =	wrdreg $0xFFFFFFFF  }
0xb3: {  	[dreg:$0x0] =	wrdreg $0x60  }
0xb4: {  	[dreg:$0x2] =	wrdreg s17  }
0xb5: {  	[dreg:$0x3] =	wrdreg s19  }
0xb6: {  	[dreg:$0x4] =	wrdreg s18  }
0xb7: {  	[dreg:$0x5] =	wrdreg $0x9  }
0xb8: {  	_ =	task.clear_ibuf [dreg:s9], $0x6FFFF;
	_ =	strace $0x90000046  }
0xb9: {  	s29 =	simm.s32 $0x9;
	_ =	strace $0x80000048  }
0xba: {  	_ =	swait.ge [sflag:s29], $0x1  }
0xbb: {  	[sflag:s29] =	ssyncadd.s32 $0xFFFFFFFF  }
0xbc: {  	_ =	strace $0x90000048  }
0xbd: {  	_ =	sfence  }
0xbe: {  	s30 =	sld [smem:$0x0];
	_ =	sdelay $0x2  }
0xbf: {  	s31 =	sshll.u32 s1, $0xD;
	s1 =	sshrl.u32 s1, $0x2  }
0xc0: {  	s3 =	sand.u32 $0x4000, s31;
	s1 =	sadd.s32 s1, s30  }
0xc1: {  	s0 =	sor.u32 s3, s0;
	s1 =	sshll.u32 s1, $0x11  }
0xc2: {  	s0 =	sor.u32 s1, s0  }
0xc3: {  	s0 =	sadd.s32 $0x8F2B, s0  }
0xc4: {  	[sflag:s0] =	ssyncadd.remote.s32 $0x1  }
0xc5: {  	_ =	sfence.sel $0xFFFF  }
0xc6: {  	[dreg:$0x0] =	wrdreg $0xFFFFFFFF;
	(pc) =	sbr.abs _section_cstart, $3  }
0xc7: {  	[dreg:$0x1] =	wrdreg $0xFFFFFFFF  }
0xc8: {  	_ =	task.clear_ibuf [dreg:s9], $0x2FFFF;
	_ =	strace $0x9FFFFFFF  }
0xc9: {  	(tm) =	ssettm $0x7FFFFFFF  }
tec
execute0_lowered:
.L_overlay_start_1:
0x0: {  	(tag) =	ssettag $0x1  }
0x1: {  	s1 =	stileid.u32  }
0x2: {  	p0 =	sgt.u32 s1, $0x7  }
.Ltmp0:
0x3: {  	s5 =	rddreg [dreg:$0x0];
	(pc) =	sbr.rel @p0 .LBB2_7-.Ltmp0, $4  }
0x4: {  	s4 =	rddreg [dreg:$0x1]  }
0x5: {  	s3 =	rddreg [dreg:$0x2];
	s2 =	simm.s32 $0x0  }
0x6: {  	[smem:$0x7FF] =	sst s2  }
0x7: {  	s0 =	rddreg [dreg:$0x3];
	_ =	strace $0x80000047  }
0x8: {  	s6 =	srdreg.scid  }
0x9: {  	s8 =	sshll.u32 s1, $0x7;
	s10 =	simm.s32 $0x1;
	s6 =	sand.u32 $0x1, s6  }
0xa: {  	s11 =	simm.s32 $0x2;
	s12 =	simm.s32 $0x4A80;
	s7 =	smul.u32 $0x1400, s6  }
0xb: {  	s13 =	simm.s32 $0x6E80;
	s9 =	smul.u32 $0x24000, s6;
	s6 =	ssub.s32 $0x2, s6  }
0xc: {  	s14 =	simm.s32 $0x0;
	s17 =	simm.s32 $0x0;
	s31 =	sshrl.u32 s6, $0x1  }
0xd: {  	s7 =	sadd.s32 s8, s7;
	s8 =	sor.u32 s8, s9;
	s6 =	ssub.s32 s6, s31  }
0xe: {  	s9 =	simm.s32 $0x4800;
	s7 =	sshrl.u32 s7, $0x3;
	s8 =	sshrl.u32 s8, $0x3  }
0xf: {  	v0 =	vlaneseq.u32;
	s6 =	smax.u32 s6, $0x1;
	s3 =	sadd.s32 s3, s7;
	s4 =	sadd.s32 s4, s7  }
0x10: {  	v0 =	vmul.u32 $0x10, v0;
	s5 =	sadd.s32 s5, s8;
	s7 =	simm.s32 $0x80;
	s8 =	simm.s32 $0x400  }
.LBB2_2:
0x11: {  	[tilespmem:s2], [sflag:$0x1] =	stream.strided.gather [hbm4b:s5+s7], $0x4800, s8, s7, $0x38;
	[tilespmem:$0x7100] =	vst v63  }
0x12: {  	_ = 	snop  }
0x13: {  	[tilespmem:s9], [sflag:$0x2] =	stream.strided.gather [hbm4b:s4+s7], $0x280, s8, s7, $0x38;
	[tilespmem:$0x7100] =	vst v63  }
0x14: {  	_ =	swait.ge [sflag:s10], $0x4800  }
0x15: {  	[sflag:s10] =	ssyncset.done $0x0  }
0x16: {  	[sflag:s10] =	ssyncadd.s32 $0xFFFFB800  }
0x17: {  	_ =	swait.ge [sflag:s11], $0x280  }
0x18: {  	[sflag:s11] =	ssyncset.done $0x0  }
0x19: {  	[sflag:s11] =	ssyncadd.s32 $0xFFFFFD80  }
0x1a: {  	v1 =	vld.msk [tilespmem:s9+$0x0], $0xffff;
	_ =	sdelay $0x4  }
0x1b: {  	vm0 =	vlt.s32 v1, $0x3FF  }
0x1c: {  	v1 =	vnsel vm0, $0x3FF, v1  }
0x1d: {  	s15 =	simm.s32 $0x20;
	s16 =	simm.s32 $0x4A90;
	[tilespmem:$0x4A80] =	vst v1  }
.LBB2_3:
0x1e: {  	v2 =	vshra.s32 v1, $0x5  }
0x1f: {  	v2 =	vadd.s32 s15, v2;
	_ =	sdelay $0x4  }
0x20: {  	v2 =	vld.idx.msk [tilespmem:v2+s17+$0x0], $0xffff;
	_ =	sdelay $0x2  }
0x21: {  	p0 =	sne.s32 s15, $0x47E0  }
.Ltmp1:
0x22: {  	v3 =	vand.u32 $0x1F, v1;
	(pc) =	sbr.rel @p0 .LBB2_3-.Ltmp1, $4  }
0x23: {  	v2 =	vshrl.u32 v2, v3  }
0x24: {  	v2 =	vand.u32 $0x1, v2  }
0x25: {  	v1 =	vadd.s32 v1, v2  }
0x26: {  	s15 =	sadd.s32 $0x20, s15;
	[tilespmem:s16+$0x0] =	vst v1;
	s16 =	sadd.s32 $0x10, s16  }
0x27: {  	v1 =	vor.u32 s17, v0;
	_ =	sdelay $0x4  }
0x28: {  	s15 =	simm.s32 $0x100;
	v1 =	vld.idx.msk [tilespmem:v1+s12+$0x0], $0xffff  }
0x29: {  	v2 =	vor.u32 s15, v0;
	_ =	sdelay $0x2  }
0x2a: {  	s15 =	simm.s32 $0x6E80  }
0x2b: {  	[tilespmem:s15+$0x0] =	vst v1  }
0x2c: {  	s16 =	simm.s32 $0x200;
	v1 =	vld.idx.msk [tilespmem:v2+s12+$0x0], $0xffff  }
0x2d: {  	v2 =	vor.u32 s16, v0;
	s16 =	simm.s32 $0x300  }
.LBB2_5:
0x2e: {  	p0 =	sne.s32 s16, $0x2300;
	_ =	sdelay $0x1  }
.Ltmp2:
0x2f: {  	s15 =	sadd.s32 $0x10, s15;
	(pc) =	sbr.rel @p0 .LBB2_5-.Ltmp2, $3  }
0x30: {  	[tilespmem:s15+$0x0] =	vst v1  }
0x31: {  	v1 =	vld.idx.msk [tilespmem:v2+s12+$0x0], $0xffff;
	_ =	sdelay $0x1  }
0x32: {  	v2 =	vor.u32 s16, v0;
	s16 =	sadd.s32 $0x100, s16  }
0x33: {  	_ =	sdelay $0x1  }
0x34: {  	s15 =	sadd.s32 $0x10, s15  }
0x35: {  	[tilespmem:s15+$0x0] =	vst v1  }
0x36: {  	v1 =	vld.idx.msk [tilespmem:v2+s12+$0x0], $0xffff;
	_ =	sdelay $0x2  }
0x37: {  	s14 =	sadd.s32 $0x1, s14  }
0x38: {  	p0 =	sne.s32 s14, s6;
	s15 =	sadd.s32 $0x10, s15  }
.Ltmp3:
0x39: {  	[tilespmem:s15+$0x0] =	vst v1;
	(pc) =	sbr.rel @p0 .LBB2_2-.Ltmp3, $4  }
0x3a: {  	[hbm4b:s3+s7] =	stream.strided.scatter [tilespmem:s13], [sflag:$0x1], $0x280, s8, s7, $0x38;
	[tilespmem:$0x7100] =	vst v63  }
0x3b: {  	_ =	swait.ge [sflag:s10], $0x280  }
0x3c: {  	[sflag:s10] =	ssyncset.done $0x0  }
0x3d: {  	[sflag:s10] =	ssyncadd.s32 $0xFFFFFD80  }
.LBB2_7:
0x3e: {  	_ =	sfence.sel $0x180000  }
0x3f: {  	[bflag:$0x0] =	sbarrier.arrive $0xFFFF  }
0x40: {  	p0 =	sne.s32 s1, $0x0;
	_ =	strace $0x90000047  }
0x41: {  	s0 =	sadd.s32 @!p0 $0x100000, s0;
	[bflag:$0x2] =	sbarrier.arrive $0xFFFF  }
0x42: {  	[sflag:s0] =	ssyncadd.tile.s32 @!p0 $0x1;
	_ =	shalt  }
.Lfunc_end2:
_tile_overlayer_lowered:
.L_overlay_start_2:
0x43: {  	(tag) =	ssettag $0x2  }
0x44: {  	s0 =	rddreg [dreg:$0x0];
	s2 =	stileid.u32  }
0x45: {  	s1 =	rddreg [dreg:$0x1];
	p0 =	sne.s32 s2, $0x0  }
0x46: {  	s3 =	rddreg [dreg:$0x2];
	[bflag:$0x3] =	sbarrier.arrive $0xFFFF;
	s2 =	simm.s32 @!p0 $0x1C03  }
0x47: {  	[timem:s3], [sflag:s2] =	dma.local @!p0 [hbm:s0], s1  }
0x48: {  	s0 =	simm.s32 @!p0 $0x3  }
0x49: {  	_ =	swait.ge @!p0 [sflag:s0], s1  }
0x4a: {  	s1 =	ssub.s32 @!p0 $0x0, s1;
	[sflag:s0] =	ssyncset.done @!p0 $0x0  }
0x4b: {  	[sflag:s0] =	ssyncadd.s32 @!p0 s1  }
0x4c: {  	[bflag:$0x3] =	sbarrier.arrive $0xFFFF  }
0x4d: {  	_ =	shalt  }

</sc_bundles>
